<compile_context>
chip_gen: v7x
topology: tpu7x:2x2x1
jax: 0.10.2.dev20260603
libtpu: 0.0.44.dev20260713+nightly
codegen_flags: <defaults>
</compile_context>

<pallas_src>
import functools
import jax
import jax.numpy as jnp
from jax import lax
from jax.experimental import pallas as pl
from jax.experimental.pallas import tpu as pltpu
from jax.experimental.pallas import tpu_sc as plsc
import numpy as np

_N = 20000
_NP = 20480
_NR = _NP // 128
_PRE_K = 2000
_KP = 2048
_POST_K = 1000
_QP = 1024
_THR = 0.7
_IMG_H = 1024.0
_IMG_W = 1024.0
_CLAMP = float(np.log(1000.0 / 16.0))
_NEG = -1e9
_MININT = np.int32(-2147483648)
_NW = 32


def _decode_body(d_ref, a_ref, s_ref, bo_ref, so_ref, key_ref, slot_ref):
    f32 = jnp.float32
    i32 = jnp.int32
    dx = d_ref[0]
    dy = d_ref[1]
    dw = jnp.minimum(d_ref[2], _CLAMP)
    dh = jnp.minimum(d_ref[3], _CLAMP)
    a0 = a_ref[0]
    a1 = a_ref[1]
    a2 = a_ref[2]
    a3 = a_ref[3]
    wa = a2 - a0
    ha = a3 - a1
    cxa = a0 + 0.5 * wa
    cya = a1 + 0.5 * ha
    px = dx * wa + cxa
    py = dy * ha + cya
    pw = jnp.exp(dw) * wa
    ph = jnp.exp(dh) * ha
    x1 = jnp.clip(px - 0.5 * pw, 0.0, _IMG_W)
    y1 = jnp.clip(py - 0.5 * ph, 0.0, _IMG_H)
    x2 = jnp.clip(px + 0.5 * pw, 0.0, _IMG_W)
    y2 = jnp.clip(py + 0.5 * ph, 0.0, _IMG_H)
    bo_ref[0] = x1
    bo_ref[1] = y1
    bo_ref[2] = x2
    bo_ref[3] = y2
    valid = ((x2 - x1) > 0.0) & ((y2 - y1) > 0.0)
    s = jnp.where(valid, s_ref[...], _NEG)
    so_ref[...] = s

    b = lax.bitcast_convert_type(s, i32)
    key = jnp.where(b < 0, jnp.bitwise_xor(jnp.invert(b), _MININT), b)
    key_ref[...] = key

    def bit_step(t, acc_u):
        cand_u = jnp.bitwise_or(acc_u, jnp.left_shift(jnp.int32(1), 31 - t))
        cand_s = jnp.bitwise_xor(cand_u, _MININT)
        cnt = jnp.sum((key >= cand_s).astype(f32))
        return jnp.where(cnt >= float(_PRE_K), cand_u, acc_u)

    acc_u = lax.fori_loop(0, 32, bit_step, jnp.int32(0))
    t_s = jnp.bitwise_xor(acc_u, _MININT)

    hi = (key > t_s).astype(f32)
    tie = (key == t_s).astype(f32)
    n_hi = jnp.sum(hi)

    ustrict = (lax.broadcasted_iota(i32, (128, 128), 0) <
               lax.broadcasted_iota(i32, (128, 128), 1)).astype(f32)
    lstrict = (lax.broadcasted_iota(i32, (_NR, _NR), 1) <
               lax.broadcasted_iota(i32, (_NR, _NR), 0)).astype(f32)

    def prefix(flag):
        inrow = lax.dot_general(flag, ustrict, (((1,), (0,)), ((), ())),
                                preferred_element_type=f32,
                                precision=lax.Precision.HIGHEST)
        rowsum = jnp.sum(flag, axis=1, keepdims=True)
        offs = lax.dot_general(lstrict, rowsum, (((1,), (0,)), ((), ())),
                               preferred_element_type=f32,
                               precision=lax.Precision.HIGHEST)
        return inrow + offs

    pos_hi = prefix(hi)
    pos_tie = prefix(tie)
    slot = jnp.where(hi > 0.5, pos_hi,
                     jnp.where(tie > 0.5, n_hi + pos_tie, float(_KP)))
    slot = jnp.minimum(slot, float(_KP))
    slot_ref[...] = slot.astype(i32)


def _decode(d_t, a_t, s_r):
    return pl.pallas_call(
        _decode_body,
        out_shape=[
            jax.ShapeDtypeStruct((4, _NR, 128), jnp.float32),
            jax.ShapeDtypeStruct((_NR, 128), jnp.float32),
            jax.ShapeDtypeStruct((_NR, 128), jnp.int32),
            jax.ShapeDtypeStruct((_NR, 128), jnp.int32),
        ],
    )(d_t, a_t, s_r)


_MESH = plsc.VectorSubcoreMesh(core_axis_name="c", subcore_axis_name="s")


@functools.partial(
    pl.kernel, mesh=_MESH,
    compiler_params=pltpu.CompilerParams(use_tc_tiling_on_sc=False),
    out_type=jax.ShapeDtypeStruct((_KP + 1, 16), jnp.float32),
    scratch_types=[
        pltpu.VMEM((5, 128), jnp.int32),
        pltpu.VMEM((640, 16), jnp.float32),
        pltpu.VMEM((48, 16), jnp.float32),
        pltpu.SemaphoreType.DMA,
    ],
)
def _sc_compact(rows_hbm, idx_hbm, init_hbm, out_hbm, idx_v, rows_v, init_v, sem):
    wid = lax.axis_index("s") * 2 + lax.axis_index("c")

    @pl.when(wid == 0)
    def _():
        pltpu.sync_copy(init_hbm, init_v)
        pltpu.sync_copy(init_v, out_hbm.at[pl.ds(_PRE_K, 48)])

    plsc.subcore_barrier()
    pltpu.sync_copy(rows_hbm.at[wid], rows_v)
    pltpu.sync_copy(idx_hbm.at[wid], idx_v)
    for g in range(5):
        pltpu.async_copy(rows_v.at[pl.ds(g * 128, 128)],
                         out_hbm.at[idx_v.at[g]], sem).wait()


@functools.partial(
    pl.kernel, mesh=_MESH,
    compiler_params=pltpu.CompilerParams(use_tc_tiling_on_sc=False),
    out_type=jax.ShapeDtypeStruct((_KP, 16), jnp.float32),
    scratch_types=[
        pltpu.VMEM((1, 64), jnp.int32),
        pltpu.VMEM((64, 16), jnp.float32),
        pltpu.SemaphoreType.DMA,
    ],
)
def _sc_sort(rows_hbm, idx_hbm, out_hbm, idx_v, rows_v, sem):
    wid = lax.axis_index("s") * 2 + lax.axis_index("c")
    pltpu.sync_copy(rows_hbm.at[wid], rows_v)
    pltpu.sync_copy(idx_hbm.at[wid], idx_v)
    pltpu.async_copy(rows_v, out_hbm.at[idx_v.at[0]], sem).wait()


def _rank_body(krow_ref, kcol_ref, pos_ref):
    f32 = jnp.float32
    i32 = jnp.int32

    def rank_jc(jc, _):
        j0 = jc * 128
        kj = kcol_ref[pl.ds(j0, 128), :]
        jidx = lax.broadcasted_iota(i32, (128, 1), 0) + j0

        def rank_kc(kc, acc):
            k0 = kc * 128
            kk = krow_ref[:, pl.ds(k0, 128)]
            kidx = lax.broadcasted_iota(i32, (1, 128), 1) + k0
            gt = (kk > kj).astype(f32)
            eq = ((kk == kj) & (kidx < jidx)).astype(f32)
            return acc + jnp.sum(gt + eq, axis=1, keepdims=True)

        acc = lax.fori_loop(0, _KP // 128, rank_kc, jnp.zeros((128, 1), f32))
        pos_ref[pl.ds(j0, 128), :] = acc.astype(i32)
        return 0

    lax.fori_loop(0, _KP // 128, rank_jc, 0)


def _rank(krow, kcol):
    return pl.pallas_call(
        _rank_body,
        out_shape=jax.ShapeDtypeStruct((_KP, 1), jnp.int32),
    )(krow, kcol)


def _nms_body(bc_ref, br_ref, ts_ref, tsc_ref, out_ref,
              over_ref, keep_ref, kcol_ref, pos_ref, b_ref, local_ref):
    f32 = jnp.float32
    x1c = bc_ref[0:1, :]
    y1c = bc_ref[1:2, :]
    x2c = bc_ref[2:3, :]
    y2c = bc_ref[3:4, :]
    area_c = (x2c - x1c) * (y2c - y1c)

    def iou_block(b, _):
        r0 = b * 128
        x1r = br_ref[0, pl.ds(r0, 128), :]
        y1r = br_ref[1, pl.ds(r0, 128), :]
        x2r = br_ref[2, pl.ds(r0, 128), :]
        y2r = br_ref[3, pl.ds(r0, 128), :]
        area_r = (x2r - x1r) * (y2r - y1r)
        w = jnp.maximum(jnp.minimum(x2r, x2c) - jnp.maximum(x1r, x1c), 0.0)
        h = jnp.maximum(jnp.minimum(y2r, y2c) - jnp.maximum(y1r, y1c), 0.0)
        inter = w * h
        iou = inter / (area_r + area_c - inter + 1e-9)
        over_ref[pl.ds(r0, 128), :] = (iou > _THR).astype(f32)
        return 0

    lax.fori_loop(0, _KP // 128, iou_block, 0)

    keep_ref[...] = jnp.ones((1, _KP), f32)
    cid = lax.broadcasted_iota(jnp.int32, (1, _KP), 1)
    lid = lax.broadcasted_iota(jnp.int32, (1, 128), 1)
    tri = (lax.broadcasted_iota(jnp.int32, (128, 128), 0) <
           lax.broadcasted_iota(jnp.int32, (128, 128), 1)).astype(f32)

    for b in range(_KP // 128):
        r0 = b * 128
        local_ref[...] = over_ref[r0:r0 + 128, r0:r0 + 128] * tri
        keepb0 = keep_ref[:, r0:r0 + 128]

        def nms_step(i, keepb):
            row = local_ref[pl.ds(i, 1), :]
            ki = jnp.sum(jnp.where(lid == i, keepb, 0.0))
            return keepb * (1.0 - row * ki)

        keepb = lax.fori_loop(0, 128, nms_step, keepb0)
        keep_ref[:, r0:r0 + 128] = keepb
        if b + 1 < _KP // 128:
            counts = lax.dot_general(
                keepb, over_ref[r0:r0 + 128, :],
                (((1,), (0,)), ((), ())),
                preferred_element_type=f32,
                precision=lax.Precision.HIGHEST)
            sup = ((counts > 0.5) & (cid >= r0 + 128)).astype(f32)
            keep_ref[...] = keep_ref[...] * (1.0 - sup)

    keep = keep_ref[...]
    real = cid < _PRE_K
    ks = jnp.where((keep > 0.5) & real, ts_ref[...], _NEG)

    def eye_block(b, _):
        r0 = b * 128
        ri = lax.broadcasted_iota(jnp.int32, (128, _KP), 0) + r0
        ci = lax.broadcasted_iota(jnp.int32, (128, _KP), 1)
        over_ref[pl.ds(r0, 128), :] = (ri == ci).astype(f32)
        return 0

    lax.fori_loop(0, _KP // 128, eye_block, 0)
    eye = over_ref[...]
    kcol_ref[...] = lax.dot_general(
        eye, keep, (((1,), (1,)), ((), ())),
        preferred_element_type=f32,
        precision=lax.Precision.HIGHEST)

    def rank_jc(jc, _):
        j0 = jc * 128
        jidx = lax.broadcasted_iota(jnp.int32, (128, 1), 0) + j0
        kj = jnp.where((kcol_ref[pl.ds(j0, 128), :] > 0.5) & (jidx < _PRE_K),
                       tsc_ref[pl.ds(j0, 128), :], _NEG)

        def rank_kc(kc, acc):
            k0 = kc * 128
            kidx = lax.broadcasted_iota(jnp.int32, (1, 128), 1) + k0
            kk = jnp.where((keep_ref[:, pl.ds(k0, 128)] > 0.5) &
                           (kidx < _PRE_K),
                           ts_ref[:, pl.ds(k0, 128)], _NEG)
            gt = (kk > kj).astype(f32)
            eq = ((kk == kj) & (kidx < jidx)).astype(f32)
            return acc + jnp.sum(gt + eq, axis=1, keepdims=True)

        acc = lax.fori_loop(0, _KP // 128, rank_kc, jnp.zeros((128, 1), f32))
        pos_ref[pl.ds(j0, 128), :] = acc
        return 0

    lax.fori_loop(0, _KP // 128, rank_jc, 0)

    qid = lax.broadcasted_iota(jnp.int32, (1, _QP), 1).astype(f32)

    def onehot_jc(jc, _):
        j0 = jc * 128
        p = pos_ref[pl.ds(j0, 128), :]
        b_ref[pl.ds(j0, 128), :] = (p == qid).astype(f32)
        return 0

    lax.fori_loop(0, _KP // 128, onehot_jc, 0)
    data = jnp.concatenate(
        [bc_ref[...], ks, jnp.zeros((3, _KP), f32)], axis=0)
    out_ref[...] = lax.dot_general(
        data, b_ref[...], (((1,), (0,)), ((), ())),
        preferred_element_type=f32,
        precision=lax.Precision.HIGHEST)


def _nms_order(bc, br, ts_row, ts_col):
    f32 = jnp.float32
    return pl.pallas_call(
        _nms_body,
        out_shape=jax.ShapeDtypeStruct((8, _QP), f32),
        scratch_shapes=[
            pltpu.VMEM((_KP, _KP), f32),
            pltpu.VMEM((1, _KP), f32),
            pltpu.VMEM((_KP, 1), f32),
            pltpu.VMEM((_KP, 1), f32),
            pltpu.VMEM((_KP, _QP), f32),
            pltpu.VMEM((128, 128), f32),
        ],
    )(bc, br, ts_row, ts_col)


@jax.jit
def kernel(scores, deltas, anchors):
    f32 = jnp.float32
    i32 = jnp.int32
    pad = _NP - _N
    s_p = jnp.pad(scores, (0, pad))
    d_t = jnp.pad(deltas, ((0, pad), (0, 0))).T.reshape(4, _NR, 128)
    a_t = jnp.pad(anchors, ((0, pad), (0, 0))).T.reshape(4, _NR, 128)
    s_r = s_p.reshape(_NR, 128)

    boxes, s_m, key, slot = _decode(d_t, a_t, s_r)

    keyf = lax.bitcast_convert_type(key, f32).reshape(_NP, 1)
    rows = jnp.concatenate(
        [boxes.reshape(4, _NP).T, s_m.reshape(_NP, 1), keyf,
         jnp.zeros((_NP, 10), f32)], axis=1)
    init = jnp.concatenate(
        [jnp.zeros((48, 5), f32),
         jnp.broadcast_to(lax.bitcast_convert_type(_MININT, f32), (48, 1)),
         jnp.zeros((48, 10), f32)], axis=1)

    comp = _sc_compact(rows.reshape(_NW, _NP // _NW, 16),
                       slot.reshape(_NW, 5, 128), init)[:_KP]

    ckey = lax.bitcast_convert_type(comp[:, 5], i32)
    ranks = _rank(ckey.reshape(1, _KP), ckey.reshape(_KP, 1))

    srt = _sc_sort(comp.reshape(_NW, _KP // _NW, 16),
                   ranks.reshape(_NW, 1, _KP // _NW))

    bc = srt[:, :4].T
    ts = srt[:, 4]
    br = bc.reshape(4, 1, _KP).transpose(0, 2, 1)
    out_t = _nms_order(bc, br, ts.reshape(1, _KP), ts.reshape(_KP, 1))
    return out_t[:5, :_POST_K].T

# --- scband reference (transcript-rebuilt; emitter-appended) ---
"""Pipeline reference for scband-rpn-28793460752480 (READ-ONLY COPY).

The authoritative reference and input builder live on the scoring server;
editing this copy changes nothing except your own understanding.
"""

import jax, jax.numpy as jnp
import numpy as np

N = 20000
PRE_K = 2000
POST_K = 1000
NMS_THR = 0.7
MIN_BOX = 0.0
IMG_H = 1024.0
IMG_W = 1024.0
_SCALE_CLAMP = float(np.log(1000.0 / 16.0))


def setup_inputs(seed: int = 0) -> dict:
    key = jax.random.key(seed)
    k1, k2, k3, k4, k5 = jax.random.split(key, 5)
    scores = jax.random.normal(k1, (N,), dtype=jnp.float32)
    deltas = jax.random.normal(k2, (N, 4), dtype=jnp.float32) * 0.2
    cx = jax.random.uniform(k3, (N,), dtype=jnp.float32) * IMG_W
    cy = jax.random.uniform(k4, (N,), dtype=jnp.float32) * IMG_H
    u = jax.random.uniform(k5, (N, 2), dtype=jnp.float32)
    wh = 16.0 + u * 240.0
    anchors = jnp.stack([cx - wh[:, 0] / 2, cy - wh[:, 1] / 2, cx + wh[:, 0] / 2, cy + wh[:, 1] / 2], axis=1)
    return {"scores": scores, "deltas": deltas, "anchors": anchors}


def _apply_deltas(deltas, anchors):
    # Box2BoxTransform.apply_deltas with weights (1,1,1,1)
    wa = anchors[:, 2] - anchors[:, 0]
    ha = anchors[:, 3] - anchors[:, 1]
    cxa = anchors[:, 0] + 0.5 * wa
    cya = anchors[:, 1] + 0.5 * ha
    dx, dy, dw, dh = deltas[:, 0], deltas[:, 1], deltas[:, 2], deltas[:, 3]
    dw = jnp.minimum(dw, _SCALE_CLAMP)
    dh = jnp.minimum(dh, _SCALE_CLAMP)
    px = dx * wa + cxa
    py = dy * ha + cya
    pw = jnp.exp(dw) * wa
    ph = jnp.exp(dh) * ha
    return jnp.stack([px - 0.5 * pw, py - 0.5 * ph, px + 0.5 * pw, py + 0.5 * ph], axis=1)


def _pairwise_iou(b):
    area = (b[:, 2] - b[:, 0]) * (b[:, 3] - b[:, 1])
    lt = jnp.maximum(b[:, None, :2], b[None, :, :2])
    rb = jnp.minimum(b[:, None, 2:], b[None, :, 2:])
    wh = jnp.maximum(rb - lt, 0.0)
    inter = wh[..., 0] * wh[..., 1]
    return inter / (area[:, None] + area[None, :] - inter + 1e-9)


def _nms_keep(boxes, thr):
    k = boxes.shape[0]
    iou = _pairwise_iou(boxes)
    idx = jnp.arange(k)
    def body(i, keep):
        sup = (iou[i] > thr) & (idx > i) & keep[i]
        return keep & (~sup)
    return jax.lax.fori_loop(0, k, body, jnp.ones((k,), dtype=bool))


def _forward(scores, deltas, anchors):
    decoded = _apply_deltas(deltas, anchors)
    x1 = jnp.clip(decoded[:, 0], 0.0, IMG_W)
    y1 = jnp.clip(decoded[:, 1], 0.0, IMG_H)
    x2 = jnp.clip(decoded[:, 2], 0.0, IMG_W)
    y2 = jnp.clip(decoded[:, 3], 0.0, IMG_H)
    clipped = jnp.stack([x1, y1, x2, y2], axis=1)
    valid = ((x2 - x1) > MIN_BOX) & ((y2 - y1) > MIN_BOX)
    s = jnp.where(valid, scores, -1e9)
    top_s, top_i = jax.lax.top_k(s, PRE_K)
    top_b = clipped[top_i]
    keep = _nms_keep(jax.lax.stop_gradient(top_b), NMS_THR)
    ks = jnp.where(keep, top_s, -1e9)
    order = jnp.argsort(-jax.lax.stop_gradient(ks))[:POST_K]
    fb = top_b[order]
    fs = ks[order]
    return jnp.concatenate([fb, fs[:, None]], axis=1)


def reference(scores, deltas, anchors):
    return _forward(scores, deltas, anchors)

if __name__ == "__main__":
    import jax
    _d = setup_inputs()
    print(jax.jit(kernel)(*tuple(_d.values())))

</pallas_src>

<mosaic_0001>
#map = affine_map<(d0, d1) -> (0, 0, 0)>
#map1 = affine_map<(d0, d1) -> (0, 0)>
module attributes {stable_mosaic.version = 14 : i64} {
  func.func @_sc_compact(%arg0: i32, %arg1: i32, %arg2: memref<32x640x16xf32, #tpu.memory_space<hbm>>, %arg3: memref<32x5x128xi32, #tpu.memory_space<hbm>>, %arg4: memref<48x16xf32, #tpu.memory_space<hbm>>, %arg5: memref<2049x16xf32, #tpu.memory_space<hbm>>, %arg6: memref<5x128xi32, #tpu.memory_space<vmem>>, %arg7: memref<640x16xf32, #tpu.memory_space<vmem>>, %arg8: memref<48x16xf32, #tpu.memory_space<vmem>>, %arg9: memref<!tpu.dma_semaphore, #tpu.memory_space<semaphore_mem>>) attributes {dimension_semantics = [#tpu.dimension_semantics<core_parallel>, #tpu.dimension_semantics<subcore_parallel>], iteration_bounds = array<i64: 2, 16>, scalar_prefetch = 0 : i64, scratch_operands = 4 : i64, tpu.core_type = #tpu.core_type<sc_vector_subcore>, window_params = [{transform_indices = #map}, {transform_indices = #map}, {transform_indices = #map1}, {transform_indices = #map1}]} {
    %mul3A = arith.constant 2 : i32
    %mul3A_0 = arith.muli %arg1, %mul3A : i32
    %add3A = arith.addi %mul3A_0, %arg0 : i32
    %eq3A = arith.constant 0 : i32
    %eq3A_1 = arith.cmpi eq, %add3A, %eq3A : i32
    %convert_element_type3A = arith.extui %eq3A_1 : i1 to i32
    %cond3A = arith.constant 0 : i32
    %cond3A_2 = arith.cmpi ne, %convert_element_type3A, %cond3A : i32
    scf.if %cond3A_2 {
      "tpu.region"() ({
        %run_scoped3A = tpu.sem_alloc : memref<!tpu.dma_semaphore, #tpu.memory_space<semaphore_mem>>
        tpu.enqueue_dma source(%arg4 : memref<48x16xf32, #tpu.memory_space<hbm>>) target(%arg8 : memref<48x16xf32, #tpu.memory_space<vmem>>) target_semaphore(%run_scoped3A : memref<!tpu.dma_semaphore, #tpu.memory_space<semaphore_mem>>)
        tpu.wait_dma2 semaphore(%run_scoped3A : memref<!tpu.dma_semaphore, #tpu.memory_space<semaphore_mem>>) src(%arg4 : memref<48x16xf32, #tpu.memory_space<hbm>>) dst(%arg8 : memref<48x16xf32, #tpu.memory_space<vmem>>)
        tpu.yield
      }) : () -> ()
      "tpu.region"() ({
        %run_scoped3A = tpu.sem_alloc : memref<!tpu.dma_semaphore, #tpu.memory_space<semaphore_mem>>
        %dma_start3A_101 = arith.constant 2000 : i32
        %dma_start3A_102 = arith.constant 0 : i32
        %dma_start3A_103 = tpu.memref_slice %arg5[%dma_start3A_101, %dma_start3A_102] : memref<2049x16xf32, #tpu.memory_space<hbm>> -> memref<48x16xf32, #tpu.memory_space<hbm>>
        %dma_start3A_104 = arith.constant 2000 : i32
        %dma_start3A_105 = arith.constant 0 : i32
        %dma_start3A_106 = tpu.memref_slice %arg5[%dma_start3A_104, %dma_start3A_105] : memref<2049x16xf32, #tpu.memory_space<hbm>> -> memref<48x16xf32, #tpu.memory_space<hbm>>
        tpu.enqueue_dma source(%arg8 : memref<48x16xf32, #tpu.memory_space<vmem>>) target(%dma_start3A_106 : memref<48x16xf32, #tpu.memory_space<hbm>>) target_semaphore(%run_scoped3A : memref<!tpu.dma_semaphore, #tpu.memory_space<semaphore_mem>>)
        %dma_wait3A_107 = arith.constant 2000 : i32
        %dma_wait3A_108 = arith.constant 0 : i32
        %dma_wait3A_109 = tpu.memref_slice %arg5[%dma_wait3A_107, %dma_wait3A_108] : memref<2049x16xf32, #tpu.memory_space<hbm>> -> memref<48x16xf32, #tpu.memory_space<hbm>>
        %dma_wait3A_110 = arith.constant 2000 : i32
        %dma_wait3A_111 = arith.constant 0 : i32
        %dma_wait3A_112 = tpu.memref_slice %arg5[%dma_wait3A_110, %dma_wait3A_111] : memref<2049x16xf32, #tpu.memory_space<hbm>> -> memref<48x16xf32, #tpu.memory_space<hbm>>
        tpu.wait_dma2 semaphore(%run_scoped3A : memref<!tpu.dma_semaphore, #tpu.memory_space<semaphore_mem>>) src(%arg8 : memref<48x16xf32, #tpu.memory_space<vmem>>) dst(%dma_wait3A_112 : memref<48x16xf32, #tpu.memory_space<hbm>>)
        tpu.yield
      }) : () -> ()
    } else {
    }
    %barrier3A = arith.constant 0 : index
    tpu.barrier barrier_id(%barrier3A)
    "tpu.region"() ({
      %run_scoped3A = tpu.sem_alloc : memref<!tpu.dma_semaphore, #tpu.memory_space<semaphore_mem>>
      %dma_start3A_101 = arith.constant 0 : i32
      %dma_start3A_102 = arith.constant 0 : i32
      %dma_start3A_103 = tpu.memref_slice %arg2[%add3A, %dma_start3A_101, %dma_start3A_102] : memref<32x640x16xf32, #tpu.memory_space<hbm>> -> memref<1x640x16xf32, #tpu.memory_space<hbm>>
      %dma_start3A_104 = tpu.memref_squeeze %dma_start3A_103 : memref<1x640x16xf32, #tpu.memory_space<hbm>> -> memref<640x16xf32, #tpu.memory_space<hbm>>
      %dma_start3A_105 = arith.constant 0 : i32
      %dma_start3A_106 = arith.constant 0 : i32
      %dma_start3A_107 = tpu.memref_slice %arg2[%add3A, %dma_start3A_105, %dma_start3A_106] : memref<32x640x16xf32, #tpu.memory_space<hbm>> -> memref<1x640x16xf32, #tpu.memory_space<hbm>>
      %dma_start3A_108 = tpu.memref_squeeze %dma_start3A_107 : memref<1x640x16xf32, #tpu.memory_space<hbm>> -> memref<640x16xf32, #tpu.memory_space<hbm>>
      tpu.enqueue_dma source(%dma_start3A_108 : memref<640x16xf32, #tpu.memory_space<hbm>>) target(%arg7 : memref<640x16xf32, #tpu.memory_space<vmem>>) target_semaphore(%run_scoped3A : memref<!tpu.dma_semaphore, #tpu.memory_space<semaphore_mem>>)
      %dma_wait3A_109 = arith.constant 0 : i32
      %dma_wait3A_110 = arith.constant 0 : i32
      %dma_wait3A_111 = tpu.memref_slice %arg2[%add3A, %dma_wait3A_109, %dma_wait3A_110] : memref<32x640x16xf32, #tpu.memory_space<hbm>> -> memref<1x640x16xf32, #tpu.memory_space<hbm>>
      %dma_wait3A_112 = tpu.memref_squeeze %dma_wait3A_111 : memref<1x640x16xf32, #tpu.memory_space<hbm>> -> memref<640x16xf32, #tpu.memory_space<hbm>>
      %dma_wait3A_113 = arith.constant 0 : i32
      %dma_wait3A_114 = arith.constant 0 : i32
      %dma_wait3A_115 = tpu.memref_slice %arg2[%add3A, %dma_wait3A_113, %dma_wait3A_114] : memref<32x640x16xf32, #tpu.memory_space<hbm>> -> memref<1x640x16xf32, #tpu.memory_space<hbm>>
      %dma_wait3A_116 = tpu.memref_squeeze %dma_wait3A_115 : memref<1x640x16xf32, #tpu.memory_space<hbm>> -> memref<640x16xf32, #tpu.memory_space<hbm>>
      tpu.wait_dma2 semaphore(%run_scoped3A : memref<!tpu.dma_semaphore, #tpu.memory_space<semaphore_mem>>) src(%dma_wait3A_116 : memref<640x16xf32, #tpu.memory_space<hbm>>) dst(%arg7 : memref<640x16xf32, #tpu.memory_space<vmem>>)
      tpu.yield
    }) : () -> ()
    "tpu.region"() ({
      %run_scoped3A = tpu.sem_alloc : memref<!tpu.dma_semaphore, #tpu.memory_space<semaphore_mem>>
      %dma_start3A_101 = arith.constant 0 : i32
      %dma_start3A_102 = arith.constant 0 : i32
      %dma_start3A_103 = tpu.memref_slice %arg3[%add3A, %dma_start3A_101, %dma_start3A_102] : memref<32x5x128xi32, #tpu.memory_space<hbm>> -> memref<1x5x128xi32, #tpu.memory_space<hbm>>
      %dma_start3A_104 = tpu.memref_squeeze %dma_start3A_103 : memref<1x5x128xi32, #tpu.memory_space<hbm>> -> memref<5x128xi32, #tpu.memory_space<hbm>>
      %dma_start3A_105 = arith.constant 0 : i32
      %dma_start3A_106 = arith.constant 0 : i32
      %dma_start3A_107 = tpu.memref_slice %arg3[%add3A, %dma_start3A_105, %dma_start3A_106] : memref<32x5x128xi32, #tpu.memory_space<hbm>> -> memref<1x5x128xi32, #tpu.memory_space<hbm>>
      %dma_start3A_108 = tpu.memref_squeeze %dma_start3A_107 : memref<1x5x128xi32, #tpu.memory_space<hbm>> -> memref<5x128xi32, #tpu.memory_space<hbm>>
      tpu.enqueue_dma source(%dma_start3A_108 : memref<5x128xi32, #tpu.memory_space<hbm>>) target(%arg6 : memref<5x128xi32, #tpu.memory_space<vmem>>) target_semaphore(%run_scoped3A : memref<!tpu.dma_semaphore, #tpu.memory_space<semaphore_mem>>)
      %dma_wait3A_109 = arith.constant 0 : i32
      %dma_wait3A_110 = arith.constant 0 : i32
      %dma_wait3A_111 = tpu.memref_slice %arg3[%add3A, %dma_wait3A_109, %dma_wait3A_110] : memref<32x5x128xi32, #tpu.memory_space<hbm>> -> memref<1x5x128xi32, #tpu.memory_space<hbm>>
      %dma_wait3A_112 = tpu.memref_squeeze %dma_wait3A_111 : memref<1x5x128xi32, #tpu.memory_space<hbm>> -> memref<5x128xi32, #tpu.memory_space<hbm>>
      %dma_wait3A_113 = arith.constant 0 : i32
      %dma_wait3A_114 = arith.constant 0 : i32
      %dma_wait3A_115 = tpu.memref_slice %arg3[%add3A, %dma_wait3A_113, %dma_wait3A_114] : memref<32x5x128xi32, #tpu.memory_space<hbm>> -> memref<1x5x128xi32, #tpu.memory_space<hbm>>
      %dma_wait3A_116 = tpu.memref_squeeze %dma_wait3A_115 : memref<1x5x128xi32, #tpu.memory_space<hbm>> -> memref<5x128xi32, #tpu.memory_space<hbm>>
      tpu.wait_dma2 semaphore(%run_scoped3A : memref<!tpu.dma_semaphore, #tpu.memory_space<semaphore_mem>>) src(%dma_wait3A_116 : memref<5x128xi32, #tpu.memory_space<hbm>>) dst(%arg6 : memref<5x128xi32, #tpu.memory_space<vmem>>)
      tpu.yield
    }) : () -> ()
    %dma_start3A = arith.constant 0 : i32
    %dma_start3A_3 = arith.constant 0 : i32
    %dma_start3A_4 = arith.constant 0 : i32
    %dma_start3A_5 = tpu.memref_slice %arg7[%dma_start3A_3, %dma_start3A_4] : memref<640x16xf32, #tpu.memory_space<vmem>> -> memref<128x16xf32, #tpu.memory_space<vmem>>
    %dma_start3A_6 = arith.constant 0 : i32
    %dma_start3A_7 = tpu.memref_slice %arg6[%dma_start3A, %dma_start3A_6] : memref<5x128xi32, #tpu.memory_space<vmem>> -> memref<1x128xi32, #tpu.memory_space<vmem>>
    %dma_start3A_8 = tpu.memref_squeeze %dma_start3A_7 : memref<1x128xi32, #tpu.memory_space<vmem>> -> memref<128xi32, #tpu.memory_space<vmem>>
    %dma_start3A_9 = arith.constant 0 : i32
    %dma_start3A_10 = arith.constant 0 : i32
    %dma_start3A_11 = tpu.memref_slice %arg5[%dma_start3A_9, %dma_start3A_10] : memref<2049x16xf32, #tpu.memory_space<hbm>> -> memref<2049x16xf32, #tpu.memory_space<hbm>>
    tpu.enqueue_indirect_dma source(%dma_start3A_5 : memref<128x16xf32, #tpu.memory_space<vmem>>) target(%dma_start3A_11 : memref<2049x16xf32, #tpu.memory_space<hbm>>) offsets(%dma_start3A_8 : memref<128xi32, #tpu.memory_space<vmem>>) semaphore(%arg9 : memref<!tpu.dma_semaphore, #tpu.memory_space<semaphore_mem>>)
    %dma_wait3A = arith.constant 0 : i32
    %dma_wait3A_12 = arith.constant 0 : i32
    %dma_wait3A_13 = arith.constant 0 : i32
    %dma_wait3A_14 = tpu.memref_slice %arg7[%dma_wait3A_12, %dma_wait3A_13] : memref<640x16xf32, #tpu.memory_space<vmem>> -> memref<128x16xf32, #tpu.memory_space<vmem>>
    %dma_wait3A_15 = arith.constant 0 : i32
    %dma_wait3A_16 = tpu.memref_slice %arg6[%dma_wait3A, %dma_wait3A_15] : memref<5x128xi32, #tpu.memory_space<vmem>> -> memref<1x128xi32, #tpu.memory_space<vmem>>
    %dma_wait3A_17 = tpu.memref_squeeze %dma_wait3A_16 : memref<1x128xi32, #tpu.memory_space<vmem>> -> memref<128xi32, #tpu.memory_space<vmem>>
    %dma_wait3A_18 = arith.constant 0 : i32
    %dma_wait3A_19 = arith.constant 0 : i32
    %dma_wait3A_20 = tpu.memref_slice %arg5[%dma_wait3A_18, %dma_wait3A_19] : memref<2049x16xf32, #tpu.memory_space<hbm>> -> memref<2049x16xf32, #tpu.memory_space<hbm>>
    tpu.wait_indirect_dma semaphore(%arg9 : memref<!tpu.dma_semaphore, #tpu.memory_space<semaphore_mem>>) src(%dma_wait3A_14 : memref<128x16xf32, #tpu.memory_space<vmem>>) dst(%dma_wait3A_20 : memref<2049x16xf32, #tpu.memory_space<hbm>>)
    %dma_start3A_21 = arith.constant 1 : i32
    %dma_start3A_22 = arith.constant 128 : i32
    %dma_start3A_23 = arith.constant 0 : i32
    %dma_start3A_24 = tpu.memref_slice %arg7[%dma_start3A_22, %dma_start3A_23] : memref<640x16xf32, #tpu.memory_space<vmem>> -> memref<128x16xf32, #tpu.memory_space<vmem>>
    %dma_start3A_25 = arith.constant 0 : i32
    %dma_start3A_26 = tpu.memref_slice %arg6[%dma_start3A_21, %dma_start3A_25] : memref<5x128xi32, #tpu.memory_space<vmem>> -> memref<1x128xi32, #tpu.memory_space<vmem>>
    %dma_start3A_27 = tpu.memref_squeeze %dma_start3A_26 : memref<1x128xi32, #tpu.memory_space<vmem>> -> memref<128xi32, #tpu.memory_space<vmem>>
    %dma_start3A_28 = arith.constant 0 : i32
    %dma_start3A_29 = arith.constant 0 : i32
    %dma_start3A_30 = tpu.memref_slice %arg5[%dma_start3A_28, %dma_start3A_29] : memref<2049x16xf32, #tpu.memory_space<hbm>> -> memref<2049x16xf32, #tpu.memory_space<hbm>>
    tpu.enqueue_indirect_dma source(%dma_start3A_24 : memref<128x16xf32, #tpu.memory_space<vmem>>) target(%dma_start3A_30 : memref<2049x16xf32, #tpu.memory_space<hbm>>) offsets(%dma_start3A_27 : memref<128xi32, #tpu.memory_space<vmem>>) semaphore(%arg9 : memref<!tpu.dma_semaphore, #tpu.memory_space<semaphore_mem>>)
    %dma_wait3A_31 = arith.constant 1 : i32
    %dma_wait3A_32 = arith.constant 128 : i32
    %dma_wait3A_33 = arith.constant 0 : i32
    %dma_wait3A_34 = tpu.memref_slice %arg7[%dma_wait3A_32, %dma_wait3A_33] : memref<640x16xf32, #tpu.memory_space<vmem>> -> memref<128x16xf32, #tpu.memory_space<vmem>>
    %dma_wait3A_35 = arith.constant 0 : i32
    %dma_wait3A_36 = tpu.memref_slice %arg6[%dma_wait3A_31, %dma_wait3A_35] : memref<5x128xi32, #tpu.memory_space<vmem>> -> memref<1x128xi32, #tpu.memory_space<vmem>>
    %dma_wait3A_37 = tpu.memref_squeeze %dma_wait3A_36 : memref<1x128xi32, #tpu.memory_space<vmem>> -> memref<128xi32, #tpu.memory_space<vmem>>
    %dma_wait3A_38 = arith.constant 0 : i32
    %dma_wait3A_39 = arith.constant 0 : i32
    %dma_wait3A_40 = tpu.memref_slice %arg5[%dma_wait3A_38, %dma_wait3A_39] : memref<2049x16xf32, #tpu.memory_space<hbm>> -> memref<2049x16xf32, #tpu.memory_space<hbm>>
    tpu.wait_indirect_dma semaphore(%arg9 : memref<!tpu.dma_semaphore, #tpu.memory_space<semaphore_mem>>) src(%dma_wait3A_34 : memref<128x16xf32, #tpu.memory_space<vmem>>) dst(%dma_wait3A_40 : memref<2049x16xf32, #tpu.memory_space<hbm>>)
    %dma_start3A_41 = arith.constant 2 : i32
    %dma_start3A_42 = arith.constant 256 : i32
    %dma_start3A_43 = arith.constant 0 : i32
    %dma_start3A_44 = tpu.memref_slice %arg7[%dma_start3A_42, %dma_start3A_43] : memref<640x16xf32, #tpu.memory_space<vmem>> -> memref<128x16xf32, #tpu.memory_space<vmem>>
    %dma_start3A_45 = arith.constant 0 : i32
    %dma_start3A_46 = tpu.memref_slice %arg6[%dma_start3A_41, %dma_start3A_45] : memref<5x128xi32, #tpu.memory_space<vmem>> -> memref<1x128xi32, #tpu.memory_space<vmem>>
    %dma_start3A_47 = tpu.memref_squeeze %dma_start3A_46 : memref<1x128xi32, #tpu.memory_space<vmem>> -> memref<128xi32, #tpu.memory_space<vmem>>
    %dma_start3A_48 = arith.constant 0 : i32
    %dma_start3A_49 = arith.constant 0 : i32
    %dma_start3A_50 = tpu.memref_slice %arg5[%dma_start3A_48, %dma_start3A_49] : memref<2049x16xf32, #tpu.memory_space<hbm>> -> memref<2049x16xf32, #tpu.memory_space<hbm>>
    tpu.enqueue_indirect_dma source(%dma_start3A_44 : memref<128x16xf32, #tpu.memory_space<vmem>>) target(%dma_start3A_50 : memref<2049x16xf32, #tpu.memory_space<hbm>>) offsets(%dma_start3A_47 : memref<128xi32, #tpu.memory_space<vmem>>) semaphore(%arg9 : memref<!tpu.dma_semaphore, #tpu.memory_space<semaphore_mem>>)
    %dma_wait3A_51 = arith.constant 2 : i32
    %dma_wait3A_52 = arith.constant 256 : i32
    %dma_wait3A_53 = arith.constant 0 : i32
    %dma_wait3A_54 = tpu.memref_slice %arg7[%dma_wait3A_52, %dma_wait3A_53] : memref<640x16xf32, #tpu.memory_space<vmem>> -> memref<128x16xf32, #tpu.memory_space<vmem>>
    %dma_wait3A_55 = arith.constant 0 : i32
    %dma_wait3A_56 = tpu.memref_slice %arg6[%dma_wait3A_51, %dma_wait3A_55] : memref<5x128xi32, #tpu.memory_space<vmem>> -> memref<1x128xi32, #tpu.memory_space<vmem>>
    %dma_wait3A_57 = tpu.memref_squeeze %dma_wait3A_56 : memref<1x128xi32, #tpu.memory_space<vmem>> -> memref<128xi32, #tpu.memory_space<vmem>>
    %dma_wait3A_58 = arith.constant 0 : i32
    %dma_wait3A_59 = arith.constant 0 : i32
    %dma_wait3A_60 = tpu.memref_slice %arg5[%dma_wait3A_58, %dma_wait3A_59] : memref<2049x16xf32, #tpu.memory_space<hbm>> -> memref<2049x16xf32, #tpu.memory_space<hbm>>
    tpu.wait_indirect_dma semaphore(%arg9 : memref<!tpu.dma_semaphore, #tpu.memory_space<semaphore_mem>>) src(%dma_wait3A_54 : memref<128x16xf32, #tpu.memory_space<vmem>>) dst(%dma_wait3A_60 : memref<2049x16xf32, #tpu.memory_space<hbm>>)
    %dma_start3A_61 = arith.constant 3 : i32
    %dma_start3A_62 = arith.constant 384 : i32
    %dma_start3A_63 = arith.constant 0 : i32
    %dma_start3A_64 = tpu.memref_slice %arg7[%dma_start3A_62, %dma_start3A_63] : memref<640x16xf32, #tpu.memory_space<vmem>> -> memref<128x16xf32, #tpu.memory_space<vmem>>
    %dma_start3A_65 = arith.constant 0 : i32
    %dma_start3A_66 = tpu.memref_slice %arg6[%dma_start3A_61, %dma_start3A_65] : memref<5x128xi32, #tpu.memory_space<vmem>> -> memref<1x128xi32, #tpu.memory_space<vmem>>
    %dma_start3A_67 = tpu.memref_squeeze %dma_start3A_66 : memref<1x128xi32, #tpu.memory_space<vmem>> -> memref<128xi32, #tpu.memory_space<vmem>>
    %dma_start3A_68 = arith.constant 0 : i32
    %dma_start3A_69 = arith.constant 0 : i32
    %dma_start3A_70 = tpu.memref_slice %arg5[%dma_start3A_68, %dma_start3A_69] : memref<2049x16xf32, #tpu.memory_space<hbm>> -> memref<2049x16xf32, #tpu.memory_space<hbm>>
    tpu.enqueue_indirect_dma source(%dma_start3A_64 : memref<128x16xf32, #tpu.memory_space<vmem>>) target(%dma_start3A_70 : memref<2049x16xf32, #tpu.memory_space<hbm>>) offsets(%dma_start3A_67 : memref<128xi32, #tpu.memory_space<vmem>>) semaphore(%arg9 : memref<!tpu.dma_semaphore, #tpu.memory_space<semaphore_mem>>)
    %dma_wait3A_71 = arith.constant 3 : i32
    %dma_wait3A_72 = arith.constant 384 : i32
    %dma_wait3A_73 = arith.constant 0 : i32
    %dma_wait3A_74 = tpu.memref_slice %arg7[%dma_wait3A_72, %dma_wait3A_73] : memref<640x16xf32, #tpu.memory_space<vmem>> -> memref<128x16xf32, #tpu.memory_space<vmem>>
    %dma_wait3A_75 = arith.constant 0 : i32
    %dma_wait3A_76 = tpu.memref_slice %arg6[%dma_wait3A_71, %dma_wait3A_75] : memref<5x128xi32, #tpu.memory_space<vmem>> -> memref<1x128xi32, #tpu.memory_space<vmem>>
    %dma_wait3A_77 = tpu.memref_squeeze %dma_wait3A_76 : memref<1x128xi32, #tpu.memory_space<vmem>> -> memref<128xi32, #tpu.memory_space<vmem>>
    %dma_wait3A_78 = arith.constant 0 : i32
    %dma_wait3A_79 = arith.constant 0 : i32
    %dma_wait3A_80 = tpu.memref_slice %arg5[%dma_wait3A_78, %dma_wait3A_79] : memref<2049x16xf32, #tpu.memory_space<hbm>> -> memref<2049x16xf32, #tpu.memory_space<hbm>>
    tpu.wait_indirect_dma semaphore(%arg9 : memref<!tpu.dma_semaphore, #tpu.memory_space<semaphore_mem>>) src(%dma_wait3A_74 : memref<128x16xf32, #tpu.memory_space<vmem>>) dst(%dma_wait3A_80 : memref<2049x16xf32, #tpu.memory_space<hbm>>)
    %dma_start3A_81 = arith.constant 4 : i32
    %dma_start3A_82 = arith.constant 512 : i32
    %dma_start3A_83 = arith.constant 0 : i32
    %dma_start3A_84 = tpu.memref_slice %arg7[%dma_start3A_82, %dma_start3A_83] : memref<640x16xf32, #tpu.memory_space<vmem>> -> memref<128x16xf32, #tpu.memory_space<vmem>>
    %dma_start3A_85 = arith.constant 0 : i32
    %dma_start3A_86 = tpu.memref_slice %arg6[%dma_start3A_81, %dma_start3A_85] : memref<5x128xi32, #tpu.memory_space<vmem>> -> memref<1x128xi32, #tpu.memory_space<vmem>>
    %dma_start3A_87 = tpu.memref_squeeze %dma_start3A_86 : memref<1x128xi32, #tpu.memory_space<vmem>> -> memref<128xi32, #tpu.memory_space<vmem>>
    %dma_start3A_88 = arith.constant 0 : i32
    %dma_start3A_89 = arith.constant 0 : i32
    %dma_start3A_90 = tpu.memref_slice %arg5[%dma_start3A_88, %dma_start3A_89] : memref<2049x16xf32, #tpu.memory_space<hbm>> -> memref<2049x16xf32, #tpu.memory_space<hbm>>
    tpu.enqueue_indirect_dma source(%dma_start3A_84 : memref<128x16xf32, #tpu.memory_space<vmem>>) target(%dma_start3A_90 : memref<2049x16xf32, #tpu.memory_space<hbm>>) offsets(%dma_start3A_87 : memref<128xi32, #tpu.memory_space<vmem>>) semaphore(%arg9 : memref<!tpu.dma_semaphore, #tpu.memory_space<semaphore_mem>>)
    %dma_wait3A_91 = arith.constant 4 : i32
    %dma_wait3A_92 = arith.constant 512 : i32
    %dma_wait3A_93 = arith.constant 0 : i32
    %dma_wait3A_94 = tpu.memref_slice %arg7[%dma_wait3A_92, %dma_wait3A_93] : memref<640x16xf32, #tpu.memory_space<vmem>> -> memref<128x16xf32, #tpu.memory_space<vmem>>
    %dma_wait3A_95 = arith.constant 0 : i32
    %dma_wait3A_96 = tpu.memref_slice %arg6[%dma_wait3A_91, %dma_wait3A_95] : memref<5x128xi32, #tpu.memory_space<vmem>> -> memref<1x128xi32, #tpu.memory_space<vmem>>
    %dma_wait3A_97 = tpu.memref_squeeze %dma_wait3A_96 : memref<1x128xi32, #tpu.memory_space<vmem>> -> memref<128xi32, #tpu.memory_space<vmem>>
    %dma_wait3A_98 = arith.constant 0 : i32
    %dma_wait3A_99 = arith.constant 0 : i32
    %dma_wait3A_100 = tpu.memref_slice %arg5[%dma_wait3A_98, %dma_wait3A_99] : memref<2049x16xf32, #tpu.memory_space<hbm>> -> memref<2049x16xf32, #tpu.memory_space<hbm>>
    tpu.wait_indirect_dma semaphore(%arg9 : memref<!tpu.dma_semaphore, #tpu.memory_space<semaphore_mem>>) src(%dma_wait3A_94 : memref<128x16xf32, #tpu.memory_space<vmem>>) dst(%dma_wait3A_100 : memref<2049x16xf32, #tpu.memory_space<hbm>>)
    return
  }
}

#map = affine_map<(d0, d1) -> (0, 0, 0)>
#map1 = affine_map<(d0, d1) -> (0, 0)>
module attributes {stable_mosaic.version = 14 : i64} {
  func.func @_sc_sort(%arg0: i32, %arg1: i32, %arg2: memref<32x64x16xf32, #tpu.memory_space<hbm>>, %arg3: memref<32x1x64xi32, #tpu.memory_space<hbm>>, %arg4: memref<2048x16xf32, #tpu.memory_space<hbm>>, %arg5: memref<1x64xi32, #tpu.memory_space<vmem>>, %arg6: memref<64x16xf32, #tpu.memory_space<vmem>>, %arg7: memref<!tpu.dma_semaphore, #tpu.memory_space<semaphore_mem>>) attributes {dimension_semantics = [#tpu.dimension_semantics<core_parallel>, #tpu.dimension_semantics<subcore_parallel>], iteration_bounds = array<i64: 2, 16>, scalar_prefetch = 0 : i64, scratch_operands = 3 : i64, tpu.core_type = #tpu.core_type<sc_vector_subcore>, window_params = [{transform_indices = #map}, {transform_indices = #map}, {transform_indices = #map1}]} {
    %mul3A = arith.constant 2 : i32
    %mul3A_0 = arith.muli %arg1, %mul3A : i32
    %add3A = arith.addi %mul3A_0, %arg0 : i32
    "tpu.region"() ({
      %run_scoped3A = tpu.sem_alloc : memref<!tpu.dma_semaphore, #tpu.memory_space<semaphore_mem>>
      %dma_start3A_13 = arith.constant 0 : i32
      %dma_start3A_14 = arith.constant 0 : i32
      %dma_start3A_15 = tpu.memref_slice %arg2[%add3A, %dma_start3A_13, %dma_start3A_14] : memref<32x64x16xf32, #tpu.memory_space<hbm>> -> memref<1x64x16xf32, #tpu.memory_space<hbm>>
      %dma_start3A_16 = tpu.memref_squeeze %dma_start3A_15 : memref<1x64x16xf32, #tpu.memory_space<hbm>> -> memref<64x16xf32, #tpu.memory_space<hbm>>
      %dma_start3A_17 = arith.constant 0 : i32
      %dma_start3A_18 = arith.constant 0 : i32
      %dma_start3A_19 = tpu.memref_slice %arg2[%add3A, %dma_start3A_17, %dma_start3A_18] : memref<32x64x16xf32, #tpu.memory_space<hbm>> -> memref<1x64x16xf32, #tpu.memory_space<hbm>>
      %dma_start3A_20 = tpu.memref_squeeze %dma_start3A_19 : memref<1x64x16xf32, #tpu.memory_space<hbm>> -> memref<64x16xf32, #tpu.memory_space<hbm>>
      tpu.enqueue_dma source(%dma_start3A_20 : memref<64x16xf32, #tpu.memory_space<hbm>>) target(%arg6 : memref<64x16xf32, #tpu.memory_space<vmem>>) target_semaphore(%run_scoped3A : memref<!tpu.dma_semaphore, #tpu.memory_space<semaphore_mem>>)
      %dma_wait3A_21 = arith.constant 0 : i32
      %dma_wait3A_22 = arith.constant 0 : i32
      %dma_wait3A_23 = tpu.memref_slice %arg2[%add3A, %dma_wait3A_21, %dma_wait3A_22] : memref<32x64x16xf32, #tpu.memory_space<hbm>> -> memref<1x64x16xf32, #tpu.memory_space<hbm>>
      %dma_wait3A_24 = tpu.memref_squeeze %dma_wait3A_23 : memref<1x64x16xf32, #tpu.memory_space<hbm>> -> memref<64x16xf32, #tpu.memory_space<hbm>>
      %dma_wait3A_25 = arith.constant 0 : i32
      %dma_wait3A_26 = arith.constant 0 : i32
      %dma_wait3A_27 = tpu.memref_slice %arg2[%add3A, %dma_wait3A_25, %dma_wait3A_26] : memref<32x64x16xf32, #tpu.memory_space<hbm>> -> memref<1x64x16xf32, #tpu.memory_space<hbm>>
      %dma_wait3A_28 = tpu.memref_squeeze %dma_wait3A_27 : memref<1x64x16xf32, #tpu.memory_space<hbm>> -> memref<64x16xf32, #tpu.memory_space<hbm>>
      tpu.wait_dma2 semaphore(%run_scoped3A : memref<!tpu.dma_semaphore, #tpu.memory_space<semaphore_mem>>) src(%dma_wait3A_28 : memref<64x16xf32, #tpu.memory_space<hbm>>) dst(%arg6 : memref<64x16xf32, #tpu.memory_space<vmem>>)
      tpu.yield
    }) : () -> ()
    "tpu.region"() ({
      %run_scoped3A = tpu.sem_alloc : memref<!tpu.dma_semaphore, #tpu.memory_space<semaphore_mem>>
      %dma_start3A_13 = arith.constant 0 : i32
      %dma_start3A_14 = arith.constant 0 : i32
      %dma_start3A_15 = tpu.memref_slice %arg3[%add3A, %dma_start3A_13, %dma_start3A_14] : memref<32x1x64xi32, #tpu.memory_space<hbm>> -> memref<1x1x64xi32, #tpu.memory_space<hbm>>
      %dma_start3A_16 = tpu.memref_squeeze %dma_start3A_15 : memref<1x1x64xi32, #tpu.memory_space<hbm>> -> memref<1x64xi32, #tpu.memory_space<hbm>>
      %dma_start3A_17 = arith.constant 0 : i32
      %dma_start3A_18 = arith.constant 0 : i32
      %dma_start3A_19 = tpu.memref_slice %arg3[%add3A, %dma_start3A_17, %dma_start3A_18] : memref<32x1x64xi32, #tpu.memory_space<hbm>> -> memref<1x1x64xi32, #tpu.memory_space<hbm>>
      %dma_start3A_20 = tpu.memref_squeeze %dma_start3A_19 : memref<1x1x64xi32, #tpu.memory_space<hbm>> -> memref<1x64xi32, #tpu.memory_space<hbm>>
      tpu.enqueue_dma source(%dma_start3A_20 : memref<1x64xi32, #tpu.memory_space<hbm>>) target(%arg5 : memref<1x64xi32, #tpu.memory_space<vmem>>) target_semaphore(%run_scoped3A : memref<!tpu.dma_semaphore, #tpu.memory_space<semaphore_mem>>)
      %dma_wait3A_21 = arith.constant 0 : i32
      %dma_wait3A_22 = arith.constant 0 : i32
      %dma_wait3A_23 = tpu.memref_slice %arg3[%add3A, %dma_wait3A_21, %dma_wait3A_22] : memref<32x1x64xi32, #tpu.memory_space<hbm>> -> memref<1x1x64xi32, #tpu.memory_space<hbm>>
      %dma_wait3A_24 = tpu.memref_squeeze %dma_wait3A_23 : memref<1x1x64xi32, #tpu.memory_space<hbm>> -> memref<1x64xi32, #tpu.memory_space<hbm>>
      %dma_wait3A_25 = arith.constant 0 : i32
      %dma_wait3A_26 = arith.constant 0 : i32
      %dma_wait3A_27 = tpu.memref_slice %arg3[%add3A, %dma_wait3A_25, %dma_wait3A_26] : memref<32x1x64xi32, #tpu.memory_space<hbm>> -> memref<1x1x64xi32, #tpu.memory_space<hbm>>
      %dma_wait3A_28 = tpu.memref_squeeze %dma_wait3A_27 : memref<1x1x64xi32, #tpu.memory_space<hbm>> -> memref<1x64xi32, #tpu.memory_space<hbm>>
      tpu.wait_dma2 semaphore(%run_scoped3A : memref<!tpu.dma_semaphore, #tpu.memory_space<semaphore_mem>>) src(%dma_wait3A_28 : memref<1x64xi32, #tpu.memory_space<hbm>>) dst(%arg5 : memref<1x64xi32, #tpu.memory_space<vmem>>)
      tpu.yield
    }) : () -> ()
    %dma_start3A = arith.constant 0 : i32
    %dma_start3A_1 = arith.constant 0 : i32
    %dma_start3A_2 = tpu.memref_slice %arg5[%dma_start3A, %dma_start3A_1] : memref<1x64xi32, #tpu.memory_space<vmem>> -> memref<1x64xi32, #tpu.memory_space<vmem>>
    %dma_start3A_3 = tpu.memref_squeeze %dma_start3A_2 : memref<1x64xi32, #tpu.memory_space<vmem>> -> memref<64xi32, #tpu.memory_space<vmem>>
    %dma_start3A_4 = arith.constant 0 : i32
    %dma_start3A_5 = arith.constant 0 : i32
    %dma_start3A_6 = tpu.memref_slice %arg4[%dma_start3A_4, %dma_start3A_5] : memref<2048x16xf32, #tpu.memory_space<hbm>> -> memref<2048x16xf32, #tpu.memory_space<hbm>>
    tpu.enqueue_indirect_dma source(%arg6 : memref<64x16xf32, #tpu.memory_space<vmem>>) target(%dma_start3A_6 : memref<2048x16xf32, #tpu.memory_space<hbm>>) offsets(%dma_start3A_3 : memref<64xi32, #tpu.memory_space<vmem>>) semaphore(%arg7 : memref<!tpu.dma_semaphore, #tpu.memory_space<semaphore_mem>>)
    %dma_wait3A = arith.constant 0 : i32
    %dma_wait3A_7 = arith.constant 0 : i32
    %dma_wait3A_8 = tpu.memref_slice %arg5[%dma_wait3A, %dma_wait3A_7] : memref<1x64xi32, #tpu.memory_space<vmem>> -> memref<1x64xi32, #tpu.memory_space<vmem>>
    %dma_wait3A_9 = tpu.memref_squeeze %dma_wait3A_8 : memref<1x64xi32, #tpu.memory_space<vmem>> -> memref<64xi32, #tpu.memory_space<vmem>>
    %dma_wait3A_10 = arith.constant 0 : i32
    %dma_wait3A_11 = arith.constant 0 : i32
    %dma_wait3A_12 = tpu.memref_slice %arg4[%dma_wait3A_10, %dma_wait3A_11] : memref<2048x16xf32, #tpu.memory_space<hbm>> -> memref<2048x16xf32, #tpu.memory_space<hbm>>
    tpu.wait_indirect_dma semaphore(%arg7 : memref<!tpu.dma_semaphore, #tpu.memory_space<semaphore_mem>>) src(%arg6 : memref<64x16xf32, #tpu.memory_space<vmem>>) dst(%dma_wait3A_12 : memref<2048x16xf32, #tpu.memory_space<hbm>>)
    return
  }
}

module attributes {stable_mosaic.version = 14 : i64} {
  func.func @_decode_body(%arg0: memref<4x160x128xf32, #tpu.memory_space<vmem>>, %arg1: memref<4x160x128xf32, #tpu.memory_space<vmem>>, %arg2: memref<160x128xf32, #tpu.memory_space<vmem>>, %arg3: memref<4x160x128xf32, #tpu.memory_space<vmem>>, %arg4: memref<160x128xf32, #tpu.memory_space<vmem>>, %arg5: memref<160x128xi32, #tpu.memory_space<vmem>>, %arg6: memref<160x128xi32, #tpu.memory_space<vmem>>) attributes {dimension_semantics = [], scalar_prefetch = 0 : i64, scratch_operands = 0 : i64, tpu.core_type = #tpu.core_type<tc>} {
    %get3A = arith.constant 0 : index
    %get3A_0 = arith.constant 0 : index
    %get3A_1 = arith.constant 0 : index
    %get3A_2 = vector.load %arg0[%get3A, %get3A_0, %get3A_1] : memref<4x160x128xf32, #tpu.memory_space<vmem>>, vector<1x160x128xf32>
    %get3A_3 = vector.shape_cast %get3A_2 : vector<1x160x128xf32> to vector<160x128xf32>
    %get3A_4 = arith.constant 1 : index
    %get3A_5 = arith.constant 0 : index
    %get3A_6 = arith.constant 0 : index
    %get3A_7 = vector.load %arg0[%get3A_4, %get3A_5, %get3A_6] : memref<4x160x128xf32, #tpu.memory_space<vmem>>, vector<1x160x128xf32>
    %get3A_8 = vector.shape_cast %get3A_7 : vector<1x160x128xf32> to vector<160x128xf32>
    %get3A_9 = arith.constant 2 : index
    %get3A_10 = arith.constant 0 : index
    %get3A_11 = arith.constant 0 : index
    %get3A_12 = vector.load %arg0[%get3A_9, %get3A_10, %get3A_11] : memref<4x160x128xf32, #tpu.memory_space<vmem>>, vector<1x160x128xf32>
    %get3A_13 = vector.shape_cast %get3A_12 : vector<1x160x128xf32> to vector<160x128xf32>
    %min3A = arith.constant 4.13516665 : f32
    %min3A_14 = vector.broadcast %min3A : f32 to vector<160x128xf32>
    %min3A_15 = arith.minimumf %get3A_13, %min3A_14 : vector<160x128xf32>
    %get3A_16 = arith.constant 3 : index
    %get3A_17 = arith.constant 0 : index
    %get3A_18 = arith.constant 0 : index
    %get3A_19 = vector.load %arg0[%get3A_16, %get3A_17, %get3A_18] : memref<4x160x128xf32, #tpu.memory_space<vmem>>, vector<1x160x128xf32>
    %get3A_20 = vector.shape_cast %get3A_19 : vector<1x160x128xf32> to vector<160x128xf32>
    %min3A_21 = arith.constant 4.13516665 : f32
    %min3A_22 = vector.broadcast %min3A_21 : f32 to vector<160x128xf32>
    %min3A_23 = arith.minimumf %get3A_20, %min3A_22 : vector<160x128xf32>
    %get3A_24 = arith.constant 0 : index
    %get3A_25 = arith.constant 0 : index
    %get3A_26 = arith.constant 0 : index
    %get3A_27 = vector.load %arg1[%get3A_24, %get3A_25, %get3A_26] : memref<4x160x128xf32, #tpu.memory_space<vmem>>, vector<1x160x128xf32>
    %get3A_28 = vector.shape_cast %get3A_27 : vector<1x160x128xf32> to vector<160x128xf32>
    %get3A_29 = arith.constant 1 : index
    %get3A_30 = arith.constant 0 : index
    %get3A_31 = arith.constant 0 : index
    %get3A_32 = vector.load %arg1[%get3A_29, %get3A_30, %get3A_31] : memref<4x160x128xf32, #tpu.memory_space<vmem>>, vector<1x160x128xf32>
    %get3A_33 = vector.shape_cast %get3A_32 : vector<1x160x128xf32> to vector<160x128xf32>
    %get3A_34 = arith.constant 2 : index
    %get3A_35 = arith.constant 0 : index
    %get3A_36 = arith.constant 0 : index
    %get3A_37 = vector.load %arg1[%get3A_34, %get3A_35, %get3A_36] : memref<4x160x128xf32, #tpu.memory_space<vmem>>, vector<1x160x128xf32>
    %get3A_38 = vector.shape_cast %get3A_37 : vector<1x160x128xf32> to vector<160x128xf32>
    %get3A_39 = arith.constant 3 : index
    %get3A_40 = arith.constant 0 : index
    %get3A_41 = arith.constant 0 : index
    %get3A_42 = vector.load %arg1[%get3A_39, %get3A_40, %get3A_41] : memref<4x160x128xf32, #tpu.memory_space<vmem>>, vector<1x160x128xf32>
    %get3A_43 = vector.shape_cast %get3A_42 : vector<1x160x128xf32> to vector<160x128xf32>
    %sub3A = arith.subf %get3A_38, %get3A_28 : vector<160x128xf32>
    %sub3A_44 = arith.subf %get3A_43, %get3A_33 : vector<160x128xf32>
    %mul3A = arith.constant 5.000000e-01 : f32
    %mul3A_45 = vector.broadcast %mul3A : f32 to vector<160x128xf32>
    %mul3A_46 = arith.mulf %mul3A_45, %sub3A : vector<160x128xf32>
    %add3A = arith.addf %get3A_28, %mul3A_46 : vector<160x128xf32>
    %mul3A_47 = arith.constant 5.000000e-01 : f32
    %mul3A_48 = vector.broadcast %mul3A_47 : f32 to vector<160x128xf32>
    %mul3A_49 = arith.mulf %mul3A_48, %sub3A_44 : vector<160x128xf32>
    %add3A_50 = arith.addf %get3A_33, %mul3A_49 : vector<160x128xf32>
    %mul3A_51 = arith.mulf %get3A_3, %sub3A : vector<160x128xf32>
    %add3A_52 = arith.addf %mul3A_51, %add3A : vector<160x128xf32>
    %mul3A_53 = arith.mulf %get3A_8, %sub3A_44 : vector<160x128xf32>
    %add3A_54 = arith.addf %mul3A_53, %add3A_50 : vector<160x128xf32>
    %exp3A = math.exp %min3A_15 : vector<160x128xf32>
    %mul3A_55 = arith.mulf %exp3A, %sub3A : vector<160x128xf32>
    %exp3A_56 = math.exp %min3A_23 : vector<160x128xf32>
    %mul3A_57 = arith.mulf %exp3A_56, %sub3A_44 : vector<160x128xf32>
    %mul3A_58 = arith.constant 5.000000e-01 : f32
    %mul3A_59 = vector.broadcast %mul3A_58 : f32 to vector<160x128xf32>
    %mul3A_60 = arith.mulf %mul3A_59, %mul3A_55 : vector<160x128xf32>
    %sub3A_61 = arith.subf %add3A_52, %mul3A_60 : vector<160x128xf32>
    %jit3A = arith.constant 0.000000e+00 : f32
    %jit3A_62 = arith.constant 1.024000e+03 : f32
    %max3A = vector.broadcast %jit3A : f32 to vector<160x128xf32>
    %max3A_63 = arith.maximumf %max3A, %sub3A_61 : vector<160x128xf32>
    %min3A_64 = vector.broadcast %jit3A_62 : f32 to vector<160x128xf32>
    %min3A_65 = arith.minimumf %min3A_64, %max3A_63 : vector<160x128xf32>
    %mul3A_66 = arith.constant 5.000000e-01 : f32
    %mul3A_67 = vector.broadcast %mul3A_66 : f32 to vector<160x128xf32>
    %mul3A_68 = arith.mulf %mul3A_67, %mul3A_57 : vector<160x128xf32>
    %sub3A_69 = arith.subf %add3A_54, %mul3A_68 : vector<160x128xf32>
    %jit3A_70 = arith.constant 0.000000e+00 : f32
    %jit3A_71 = arith.constant 1.024000e+03 : f32
    %max3A_72 = vector.broadcast %jit3A_70 : f32 to vector<160x128xf32>
    %max3A_73 = arith.maximumf %max3A_72, %sub3A_69 : vector<160x128xf32>
    %min3A_74 = vector.broadcast %jit3A_71 : f32 to vector<160x128xf32>
    %min3A_75 = arith.minimumf %min3A_74, %max3A_73 : vector<160x128xf32>
    %mul3A_76 = arith.constant 5.000000e-01 : f32
    %mul3A_77 = vector.broadcast %mul3A_76 : f32 to vector<160x128xf32>
    %mul3A_78 = arith.mulf %mul3A_77, %mul3A_55 : vector<160x128xf32>
    %add3A_79 = arith.addf %add3A_52, %mul3A_78 : vector<160x128xf32>
    %jit3A_80 = arith.constant 0.000000e+00 : f32
    %jit3A_81 = arith.constant 1.024000e+03 : f32
    %max3A_82 = vector.broadcast %jit3A_80 : f32 to vector<160x128xf32>
    %max3A_83 = arith.maximumf %max3A_82, %add3A_79 : vector<160x128xf32>
    %min3A_84 = vector.broadcast %jit3A_81 : f32 to vector<160x128xf32>
    %min3A_85 = arith.minimumf %min3A_84, %max3A_83 : vector<160x128xf32>
    %mul3A_86 = arith.constant 5.000000e-01 : f32
    %mul3A_87 = vector.broadcast %mul3A_86 : f32 to vector<160x128xf32>
    %mul3A_88 = arith.mulf %mul3A_87, %mul3A_57 : vector<160x128xf32>
    %add3A_89 = arith.addf %add3A_54, %mul3A_88 : vector<160x128xf32>
    %jit3A_90 = arith.constant 0.000000e+00 : f32
    %jit3A_91 = arith.constant 1.024000e+03 : f32
    %max3A_92 = vector.broadcast %jit3A_90 : f32 to vector<160x128xf32>
    %max3A_93 = arith.maximumf %max3A_92, %add3A_89 : vector<160x128xf32>
    %min3A_94 = vector.broadcast %jit3A_91 : f32 to vector<160x128xf32>
    %min3A_95 = arith.minimumf %min3A_94, %max3A_93 : vector<160x128xf32>
    %swap3A = arith.constant 0 : index
    %swap3A_96 = arith.constant 0 : index
    %swap3A_97 = arith.constant 0 : index
    %swap3A_98 = vector.load %arg3[%swap3A, %swap3A_96, %swap3A_97] : memref<4x160x128xf32, #tpu.memory_space<vmem>>, vector<1x160x128xf32>
    %swap3A_99 = vector.shape_cast %swap3A_98 : vector<1x160x128xf32> to vector<160x128xf32>
    %swap3A_100 = vector.shape_cast %min3A_65 : vector<160x128xf32> to vector<1x160x128xf32>
    tpu.vector_store %arg3[%swap3A, %swap3A_96, %swap3A_97], %swap3A_100 {strides = array<i32>} : memref<4x160x128xf32, #tpu.memory_space<vmem>>, vector<1x160x128xf32>,
    %swap3A_101 = arith.constant 1 : index
    %swap3A_102 = arith.constant 0 : index
    %swap3A_103 = arith.constant 0 : index
    %swap3A_104 = vector.load %arg3[%swap3A_101, %swap3A_102, %swap3A_103] : memref<4x160x128xf32, #tpu.memory_space<vmem>>, vector<1x160x128xf32>
    %swap3A_105 = vector.shape_cast %swap3A_104 : vector<1x160x128xf32> to vector<160x128xf32>
    %swap3A_106 = vector.shape_cast %min3A_75 : vector<160x128xf32> to vector<1x160x128xf32>
    tpu.vector_store %arg3[%swap3A_101, %swap3A_102, %swap3A_103], %swap3A_106 {strides = array<i32>} : memref<4x160x128xf32, #tpu.memory_space<vmem>>, vector<1x160x128xf32>,
    %swap3A_107 = arith.constant 2 : index
    %swap3A_108 = arith.constant 0 : index
    %swap3A_109 = arith.constant 0 : index
    %swap3A_110 = vector.load %arg3[%swap3A_107, %swap3A_108, %swap3A_109] : memref<4x160x128xf32, #tpu.memory_space<vmem>>, vector<1x160x128xf32>
    %swap3A_111 = vector.shape_cast %swap3A_110 : vector<1x160x128xf32> to vector<160x128xf32>
    %swap3A_112 = vector.shape_cast %min3A_85 : vector<160x128xf32> to vector<1x160x128xf32>
    tpu.vector_store %arg3[%swap3A_107, %swap3A_108, %swap3A_109], %swap3A_112 {strides = array<i32>} : memref<4x160x128xf32, #tpu.memory_space<vmem>>, vector<1x160x128xf32>,
    %swap3A_113 = arith.constant 3 : index
    %swap3A_114 = arith.constant 0 : index
    %swap3A_115 = arith.constant 0 : index
    %swap3A_116 = vector.load %arg3[%swap3A_113, %swap3A_114, %swap3A_115] : memref<4x160x128xf32, #tpu.memory_space<vmem>>, vector<1x160x128xf32>
    %swap3A_117 = vector.shape_cast %swap3A_116 : vector<1x160x128xf32> to vector<160x128xf32>
    %swap3A_118 = vector.shape_cast %min3A_95 : vector<160x128xf32> to vector<1x160x128xf32>
    tpu.vector_store %arg3[%swap3A_113, %swap3A_114, %swap3A_115], %swap3A_118 {strides = array<i32>} : memref<4x160x128xf32, #tpu.memory_space<vmem>>, vector<1x160x128xf32>,
    %sub3A_119 = arith.subf %min3A_85, %min3A_65 : vector<160x128xf32>
    %gt3A = arith.constant 0.000000e+00 : f32
    %gt3A_120 = vector.broadcast %gt3A : f32 to vector<160x128xf32>
    %gt3A_121 = arith.cmpf ogt, %sub3A_119, %gt3A_120 : vector<160x128xf32>
    %sub3A_122 = arith.subf %min3A_95, %min3A_75 : vector<160x128xf32>
    %gt3A_123 = arith.constant 0.000000e+00 : f32
    %gt3A_124 = vector.broadcast %gt3A_123 : f32 to vector<160x128xf32>
    %gt3A_125 = arith.cmpf ogt, %sub3A_122, %gt3A_124 : vector<160x128xf32>
    %and3A = arith.andi %gt3A_121, %gt3A_125 : vector<160x128xi1>
    %get3A_126 = arith.constant 0 : index
    %get3A_127 = arith.constant 0 : index
    %get3A_128 = vector.load %arg2[%get3A_126, %get3A_127] : memref<160x128xf32, #tpu.memory_space<vmem>>, vector<160x128xf32>
    %jit3A_129 = arith.constant -1.000000e+09 : f32
    %broadcast_in_dim3A = vector.broadcast %jit3A_129 : f32 to vector<160x128xf32>
    %select_n3A = arith.select %and3A, %get3A_128, %broadcast_in_dim3A : vector<160x128xi1>, vector<160x128xf32>
    %swap3A_130 = arith.constant 0 : index
    %swap3A_131 = arith.constant 0 : index
    %swap3A_132 = vector.load %arg4[%swap3A_130, %swap3A_131] : memref<160x128xf32, #tpu.memory_space<vmem>>, vector<160x128xf32>
    tpu.vector_store %arg4[%swap3A_130, %swap3A_131], %select_n3A {strides = array<i32>} : memref<160x128xf32, #tpu.memory_space<vmem>>, vector<160x128xf32>,
    %bitcast_convert_type3A = tpu.bitcast %select_n3A : vector<160x128xf32> -> vector<160x128xi32>
    %lt3A = arith.constant 0 : i32
    %lt3A_133 = vector.broadcast %lt3A : i32 to vector<160x128xi32>
    %lt3A_134 = arith.cmpi slt, %bitcast_convert_type3A, %lt3A_133 : vector<160x128xi32>
    %not3A = arith.constant dense<-1> : vector<160x128xi32>
    %not3A_135 = arith.xori %bitcast_convert_type3A, %not3A : vector<160x128xi32>
    %xor3A = arith.constant -2147483648 : i32
    %xor3A_136 = vector.broadcast %xor3A : i32 to vector<160x128xi32>
    %xor3A_137 = arith.xori %not3A_135, %xor3A_136 : vector<160x128xi32>
    %select_n3A_138 = arith.select %lt3A_134, %xor3A_137, %bitcast_convert_type3A : vector<160x128xi1>, vector<160x128xi32>
    %swap3A_139 = arith.constant 0 : index
    %swap3A_140 = arith.constant 0 : index
    %swap3A_141 = vector.load %arg5[%swap3A_139, %swap3A_140] : memref<160x128xi32, #tpu.memory_space<vmem>>, vector<160x128xi32>
    tpu.vector_store %arg5[%swap3A_139, %swap3A_140], %select_n3A_138 {strides = array<i32>} : memref<160x128xi32, #tpu.memory_space<vmem>>, vector<160x128xi32>,
    %scan3A = arith.constant 0 : i32
    %scan3A_142 = arith.constant 0 : i32
    %scan3A_143 = arith.constant 32 : i32
    %scan3A_144 = arith.addi %scan3A_142, %scan3A_143 : i32
    %scan3A_145 = arith.constant 1 : i32
    %scan3A_146 = scf.for %scan3A_205 = %scan3A_142 to %scan3A_144 step %scan3A_145 iter_args(%scan3A_206 = %scan3A) -> (i32)  : i32 {
      %sub3A_207 = arith.constant 31 : i32
      %sub3A_208 = arith.subi %sub3A_207, %scan3A_205 : i32
      %shift_left3A = arith.constant 1 : i32
      %shift_left3A_209 = arith.shli %shift_left3A, %sub3A_208 : i32
      %or3A = arith.ori %scan3A_206, %shift_left3A_209 : i32
      %xor3A_210 = arith.constant -2147483648 : i32
      %xor3A_211 = arith.xori %or3A, %xor3A_210 : i32
      %ge3A = vector.broadcast %xor3A_211 : i32 to vector<160x128xi32>
      %ge3A_212 = arith.cmpi sge, %select_n3A_138, %ge3A : vector<160x128xi32>
      %convert_element_type3A_213 = arith.extui %ge3A_212 : vector<160x128xi1> to vector<160x128xi32>
      %convert_element_type3A_214 = arith.sitofp %convert_element_type3A_213 : vector<160x128xi32> to vector<160x128xf32>
      %reduce_sum3A_215 = vector.shape_cast %convert_element_type3A_214 : vector<160x128xf32> to vector<1x160x128xf32>
      %reduce_sum3A_216 = arith.constant dense<0.000000e+00> : vector<1xf32>
      %reduce_sum3A_217 = vector.multi_reduction <add>, %reduce_sum3A_215, %reduce_sum3A_216 [1, 2] : vector<1x160x128xf32> to vector<1xf32>
      %reduce_sum3A_218 = vector.shape_cast %reduce_sum3A_217 : vector<1xf32> to vector<1x1x1xf32>
      %reduce_sum3A_219 = vector.extract %reduce_sum3A_218[0, 0, 0] : f32 from vector<1x1x1xf32>
      %ge3A_220 = arith.constant 2.000000e+03 : f32
      %ge3A_221 = arith.cmpf oge, %reduce_sum3A_219, %ge3A_220 : f32
      %select_n3A_222 = arith.select %ge3A_221, %or3A, %scan3A_206 : i32
      scf.yield %select_n3A_222 : i32
    }
    %scan3A_147 = arith.constant 32 : i32
    %xor3A_148 = arith.constant -2147483648 : i32
    %xor3A_149 = arith.xori %scan3A_146, %xor3A_148 : i32
    %gt3A_150 = vector.broadcast %xor3A_149 : i32 to vector<160x128xi32>
    %gt3A_151 = arith.cmpi sgt, %select_n3A_138, %gt3A_150 : vector<160x128xi32>
    %convert_element_type3A = arith.extui %gt3A_151 : vector<160x128xi1> to vector<160x128xi32>
    %convert_element_type3A_152 = arith.sitofp %convert_element_type3A : vector<160x128xi32> to vector<160x128xf32>
    %eq3A = vector.broadcast %xor3A_149 : i32 to vector<160x128xi32>
    %eq3A_153 = arith.cmpi eq, %select_n3A_138, %eq3A : vector<160x128xi32>
    %convert_element_type3A_154 = arith.extui %eq3A_153 : vector<160x128xi1> to vector<160x128xi32>
    %convert_element_type3A_155 = arith.sitofp %convert_element_type3A_154 : vector<160x128xi32> to vector<160x128xf32>
    %reduce_sum3A = vector.shape_cast %convert_element_type3A_152 : vector<160x128xf32> to vector<1x160x128xf32>
    %reduce_sum3A_156 = arith.constant dense<0.000000e+00> : vector<1xf32>
    %reduce_sum3A_157 = vector.multi_reduction <add>, %reduce_sum3A, %reduce_sum3A_156 [1, 2] : vector<1x160x128xf32> to vector<1xf32>
    %reduce_sum3A_158 = vector.shape_cast %reduce_sum3A_157 : vector<1xf32> to vector<1x1x1xf32>
    %reduce_sum3A_159 = vector.extract %reduce_sum3A_158[0, 0, 0] : f32 from vector<1x1x1xf32>
    %iota3A = tpu.iota {dimensions = array<i32: 0>} : vector<128x128xi32>
    %iota3A_160 = tpu.iota {dimensions = array<i32: 1>} : vector<128x128xi32>
    %lt3A_161 = arith.cmpi slt, %iota3A, %iota3A_160 : vector<128x128xi32>
    %convert_element_type3A_162 = arith.extui %lt3A_161 : vector<128x128xi1> to vector<128x128xi32>
    %convert_element_type3A_163 = arith.sitofp %convert_element_type3A_162 : vector<128x128xi32> to vector<128x128xf32>
    %iota3A_164 = tpu.iota {dimensions = array<i32: 1>} : vector<160x160xi32>
    %iota3A_165 = tpu.iota {dimensions = array<i32: 0>} : vector<160x160xi32>
    %lt3A_166 = arith.cmpi slt, %iota3A_164, %iota3A_165 : vector<160x160xi32>
    %convert_element_type3A_167 = arith.extui %lt3A_166 : vector<160x160xi1> to vector<160x160xi32>
    %convert_element_type3A_168 = arith.sitofp %convert_element_type3A_167 : vector<160x160xi32> to vector<160x160xf32>
    %dot_general3A = arith.constant dense<0.000000e+00> : vector<160x128xf32>
    %dot_general3A_169 = tpu.matmul %convert_element_type3A_152, %convert_element_type3A_163, %dot_general3A {dimension_numbers = #tpu.dot_dimension_numbers<[1], [0], [0], [1], [0, 0, 1, 1], [], []>, precision = #tpu.contract_precision<fp32>, transpose_lhs_hint = false} : vector<160x128xf32>, vector<128x128xf32>, vector<160x128xf32> -> vector<160x128xf32>
    %reduce_sum3A_170 = arith.constant dense<0.000000e+00> : vector<160xf32>
    %reduce_sum3A_171 = vector.multi_reduction <add>, %convert_element_type3A_152, %reduce_sum3A_170 [1] : vector<160x128xf32> to vector<160xf32>
    %broadcast_in_dim3A_172 = vector.shape_cast %reduce_sum3A_171 : vector<160xf32> to vector<160x1xf32>
    %dot_general3A_173 = arith.constant dense<0.000000e+00> : vector<160x1xf32>
    %dot_general3A_174 = tpu.matmul %convert_element_type3A_168, %broadcast_in_dim3A_172, %dot_general3A_173 {dimension_numbers = #tpu.dot_dimension_numbers<[1], [0], [0], [1], [0, 0, 1, 1], [], []>, precision = #tpu.contract_precision<fp32>, transpose_lhs_hint = false} : vector<160x160xf32>, vector<160x1xf32>, vector<160x1xf32> -> vector<160x1xf32>
    %add3A_175 = vector.broadcast %dot_general3A_174 : vector<160x1xf32> to vector<160x128xf32>
    %add3A_176 = arith.addf %dot_general3A_169, %add3A_175 : vector<160x128xf32>
    %dot_general3A_177 = arith.constant dense<0.000000e+00> : vector<160x128xf32>
    %dot_general3A_178 = tpu.matmul %convert_element_type3A_155, %convert_element_type3A_163, %dot_general3A_177 {dimension_numbers = #tpu.dot_dimension_numbers<[1], [0], [0], [1], [0, 0, 1, 1], [], []>, precision = #tpu.contract_precision<fp32>, transpose_lhs_hint = false} : vector<160x128xf32>, vector<128x128xf32>, vector<160x128xf32> -> vector<160x128xf32>
    %reduce_sum3A_179 = arith.constant dense<0.000000e+00> : vector<160xf32>
    %reduce_sum3A_180 = vector.multi_reduction <add>, %convert_element_type3A_155, %reduce_sum3A_179 [1] : vector<160x128xf32> to vector<160xf32>
    %broadcast_in_dim3A_181 = vector.shape_cast %reduce_sum3A_180 : vector<160xf32> to vector<160x1xf32>
    %dot_general3A_182 = arith.constant dense<0.000000e+00> : vector<160x1xf32>
    %dot_general3A_183 = tpu.matmul %convert_element_type3A_168, %broadcast_in_dim3A_181, %dot_general3A_182 {dimension_numbers = #tpu.dot_dimension_numbers<[1], [0], [0], [1], [0, 0, 1, 1], [], []>, precision = #tpu.contract_precision<fp32>, transpose_lhs_hint = false} : vector<160x160xf32>, vector<160x1xf32>, vector<160x1xf32> -> vector<160x1xf32>
    %add3A_184 = vector.broadcast %dot_general3A_183 : vector<160x1xf32> to vector<160x128xf32>
    %add3A_185 = arith.addf %dot_general3A_178, %add3A_184 : vector<160x128xf32>
    %gt3A_186 = arith.constant 5.000000e-01 : f32
    %gt3A_187 = vector.broadcast %gt3A_186 : f32 to vector<160x128xf32>
    %gt3A_188 = arith.cmpf ogt, %convert_element_type3A_152, %gt3A_187 : vector<160x128xf32>
    %gt3A_189 = arith.constant 5.000000e-01 : f32
    %gt3A_190 = vector.broadcast %gt3A_189 : f32 to vector<160x128xf32>
    %gt3A_191 = arith.cmpf ogt, %convert_element_type3A_155, %gt3A_190 : vector<160x128xf32>
    %add3A_192 = vector.broadcast %reduce_sum3A_159 : f32 to vector<160x128xf32>
    %add3A_193 = arith.addf %add3A_192, %add3A_185 : vector<160x128xf32>
    %jit3A_194 = arith.constant 2.048000e+03 : f32
    %broadcast_in_dim3A_195 = vector.broadcast %jit3A_194 : f32 to vector<160x128xf32>
    %select_n3A_196 = arith.select %gt3A_191, %add3A_193, %broadcast_in_dim3A_195 : vector<160x128xi1>, vector<160x128xf32>
    %select_n3A_197 = arith.select %gt3A_188, %add3A_176, %select_n3A_196 : vector<160x128xi1>, vector<160x128xf32>
    %min3A_198 = arith.constant 2.048000e+03 : f32
    %min3A_199 = vector.broadcast %min3A_198 : f32 to vector<160x128xf32>
    %min3A_200 = arith.minimumf %select_n3A_197, %min3A_199 : vector<160x128xf32>
    %convert_element_type3A_201 = arith.fptosi %min3A_200 : vector<160x128xf32> to vector<160x128xi32>
    %swap3A_202 = arith.constant 0 : index
    %swap3A_203 = arith.constant 0 : index
    %swap3A_204 = vector.load %arg6[%swap3A_202, %swap3A_203] : memref<160x128xi32, #tpu.memory_space<vmem>>, vector<160x128xi32>
    tpu.vector_store %arg6[%swap3A_202, %swap3A_203], %convert_element_type3A_201 {strides = array<i32>} : memref<160x128xi32, #tpu.memory_space<vmem>>, vector<160x128xi32>,
    return
  }
}

module attributes {stable_mosaic.version = 14 : i64} {
  func.func @_rank_body(%arg0: memref<1x2048xi32, #tpu.memory_space<vmem>>, %arg1: memref<2048x1xi32, #tpu.memory_space<vmem>>, %arg2: memref<2048x1xi32, #tpu.memory_space<vmem>>) attributes {dimension_semantics = [], scalar_prefetch = 0 : i64, scratch_operands = 0 : i64, tpu.core_type = #tpu.core_type<tc>} {
    %scan3A = arith.constant 0 : i32
    %scan3A_0 = arith.constant 16 : i32
    %scan3A_1 = arith.addi %scan3A, %scan3A_0 : i32
    %scan3A_2 = arith.constant 1 : i32
    scf.for %scan3A_4 = %scan3A to %scan3A_1 step %scan3A_2  : i32 {
      %mul3A = arith.constant 128 : i32
      %mul3A_5 = arith.muli %scan3A_4, %mul3A : i32
      %get3A = arith.index_cast %mul3A_5 : i32 to index
      %get3A_6 = arith.constant 0 : index
      %get3A_7 = vector.load %arg1[%get3A, %get3A_6] : memref<2048x1xi32, #tpu.memory_space<vmem>>, vector<128x1xi32>
      %iota3A = tpu.iota {dimensions = array<i32: 0>} : vector<128x1xi32>
      %add3A = vector.broadcast %mul3A_5 : i32 to vector<128x1xi32>
      %add3A_8 = arith.addi %iota3A, %add3A : vector<128x1xi32>
      %broadcast_in_dim3A = arith.constant 0.000000e+00 : f32
      %broadcast_in_dim3A_9 = vector.broadcast %broadcast_in_dim3A : f32 to vector<128x1xf32>
      %scan3A_10 = arith.constant 0 : i32
      %scan3A_11 = arith.constant 16 : i32
      %scan3A_12 = arith.addi %scan3A_10, %scan3A_11 : i32
      %scan3A_13 = arith.constant 1 : i32
      %scan3A_14 = scf.for %scan3A_18 = %scan3A_10 to %scan3A_12 step %scan3A_13 iter_args(%scan3A_19 = %broadcast_in_dim3A_9) -> (vector<128x1xf32>)  : i32 {
        %mul3A_20 = arith.constant 128 : i32
        %mul3A_21 = arith.muli %scan3A_18, %mul3A_20 : i32
        %get3A_22 = arith.constant 0 : index
        %get3A_23 = arith.index_cast %mul3A_21 : i32 to index
        %get3A_24 = vector.load %arg0[%get3A_22, %get3A_23] : memref<1x2048xi32, #tpu.memory_space<vmem>>, vector<1x128xi32>
        %iota3A_25 = tpu.iota {dimensions = array<i32: 1>} : vector<1x128xi32>
        %add3A_26 = vector.broadcast %mul3A_21 : i32 to vector<1x128xi32>
        %add3A_27 = arith.addi %iota3A_25, %add3A_26 : vector<1x128xi32>
        %gt3A = vector.broadcast %get3A_24 : vector<1x128xi32> to vector<128x128xi32>
        %gt3A_28 = vector.broadcast %get3A_7 : vector<128x1xi32> to vector<128x128xi32>
        %gt3A_29 = arith.cmpi sgt, %gt3A, %gt3A_28 : vector<128x128xi32>
        %convert_element_type3A_30 = arith.extui %gt3A_29 : vector<128x128xi1> to vector<128x128xi32>
        %convert_element_type3A_31 = arith.sitofp %convert_element_type3A_30 : vector<128x128xi32> to vector<128x128xf32>
        %eq3A = vector.broadcast %get3A_24 : vector<1x128xi32> to vector<128x128xi32>
        %eq3A_32 = vector.broadcast %get3A_7 : vector<128x1xi32> to vector<128x128xi32>
        %eq3A_33 = arith.cmpi eq, %eq3A, %eq3A_32 : vector<128x128xi32>
        %lt3A = vector.broadcast %add3A_27 : vector<1x128xi32> to vector<128x128xi32>
        %lt3A_34 = vector.broadcast %add3A_8 : vector<128x1xi32> to vector<128x128xi32>
        %lt3A_35 = arith.cmpi slt, %lt3A, %lt3A_34 : vector<128x128xi32>
        %and3A = arith.andi %eq3A_33, %lt3A_35 : vector<128x128xi1>
        %convert_element_type3A_36 = arith.extui %and3A : vector<128x128xi1> to vector<128x128xi32>
        %convert_element_type3A_37 = arith.sitofp %convert_element_type3A_36 : vector<128x128xi32> to vector<128x128xf32>
        %add3A_38 = arith.addf %convert_element_type3A_31, %convert_element_type3A_37 : vector<128x128xf32>
        %reduce_sum3A = arith.constant dense<0.000000e+00> : vector<128xf32>
        %reduce_sum3A_39 = vector.multi_reduction <add>, %add3A_38, %reduce_sum3A [1] : vector<128x128xf32> to vector<128xf32>
        %broadcast_in_dim3A_40 = vector.shape_cast %reduce_sum3A_39 : vector<128xf32> to vector<128x1xf32>
        %add3A_41 = arith.addf %scan3A_19, %broadcast_in_dim3A_40 : vector<128x1xf32>
        scf.yield %add3A_41 : vector<128x1xf32>
      }
      %scan3A_15 = arith.constant 16 : i32
      %convert_element_type3A = arith.fptosi %scan3A_14 : vector<128x1xf32> to vector<128x1xi32>
      %swap3A = arith.index_cast %mul3A_5 : i32 to index
      %swap3A_16 = arith.constant 0 : index
      %swap3A_17 = vector.load %arg2[%swap3A, %swap3A_16] : memref<2048x1xi32, #tpu.memory_space<vmem>>, vector<128x1xi32>
      tpu.vector_store %arg2[%swap3A, %swap3A_16], %convert_element_type3A {strides = array<i32>} : memref<2048x1xi32, #tpu.memory_space<vmem>>, vector<128x1xi32>,
    }
    %scan3A_3 = arith.constant 16 : i32
    return
  }
}

module attributes {stable_mosaic.version = 14 : i64} {
  func.func @_nms_body(%arg0: memref<4x2048xf32, #tpu.memory_space<vmem>>, %arg1: memref<4x2048x1xf32, #tpu.memory_space<vmem>>, %arg2: memref<1x2048xf32, #tpu.memory_space<vmem>>, %arg3: memref<2048x1xf32, #tpu.memory_space<vmem>>, %arg4: memref<8x1024xf32, #tpu.memory_space<vmem>>, %arg5: memref<2048x2048xf32, #tpu.memory_space<vmem>>, %arg6: memref<1x2048xf32, #tpu.memory_space<vmem>>, %arg7: memref<2048x1xf32, #tpu.memory_space<vmem>>, %arg8: memref<2048x1xf32, #tpu.memory_space<vmem>>, %arg9: memref<2048x1024xf32, #tpu.memory_space<vmem>>, %arg10: memref<128x128xf32, #tpu.memory_space<vmem>>) attributes {dimension_semantics = [], scalar_prefetch = 0 : i64, scratch_operands = 6 : i64, tpu.core_type = #tpu.core_type<tc>} {
    %get3A = arith.constant 0 : index
    %get3A_0 = arith.constant 0 : index
    %get3A_1 = vector.load %arg0[%get3A, %get3A_0] : memref<4x2048xf32, #tpu.memory_space<vmem>>, vector<1x2048xf32>
    %get3A_2 = arith.constant 1 : index
    %get3A_3 = arith.constant 0 : index
    %get3A_4 = vector.load %arg0[%get3A_2, %get3A_3] : memref<4x2048xf32, #tpu.memory_space<vmem>>, vector<1x2048xf32>
    %get3A_5 = arith.constant 2 : index
    %get3A_6 = arith.constant 0 : index
    %get3A_7 = vector.load %arg0[%get3A_5, %get3A_6] : memref<4x2048xf32, #tpu.memory_space<vmem>>, vector<1x2048xf32>
    %get3A_8 = arith.constant 3 : index
    %get3A_9 = arith.constant 0 : index
    %get3A_10 = vector.load %arg0[%get3A_8, %get3A_9] : memref<4x2048xf32, #tpu.memory_space<vmem>>, vector<1x2048xf32>
    %sub3A = arith.subf %get3A_7, %get3A_1 : vector<1x2048xf32>
    %sub3A_11 = arith.subf %get3A_10, %get3A_4 : vector<1x2048xf32>
    %mul3A = arith.mulf %sub3A, %sub3A_11 : vector<1x2048xf32>
    %scan3A = arith.constant 0 : i32
    %scan3A_12 = arith.constant 16 : i32
    %scan3A_13 = arith.addi %scan3A, %scan3A_12 : i32
    %scan3A_14 = arith.constant 1 : i32
    scf.for %scan3A_735 = %scan3A to %scan3A_13 step %scan3A_14  : i32 {
      %mul3A_736 = arith.constant 128 : i32
      %mul3A_737 = arith.muli %scan3A_735, %mul3A_736 : i32
      %get3A_738 = arith.constant 0 : index
      %get3A_739 = arith.index_cast %mul3A_737 : i32 to index
      %get3A_740 = arith.constant 0 : index
      %get3A_741 = vector.load %arg1[%get3A_738, %get3A_739, %get3A_740] : memref<4x2048x1xf32, #tpu.memory_space<vmem>>, vector<1x128x1xf32>
      %get3A_742 = vector.shape_cast %get3A_741 : vector<1x128x1xf32> to vector<128x1xf32>
      %get3A_743 = arith.constant 1 : index
      %get3A_744 = arith.index_cast %mul3A_737 : i32 to index
      %get3A_745 = arith.constant 0 : index
      %get3A_746 = vector.load %arg1[%get3A_743, %get3A_744, %get3A_745] : memref<4x2048x1xf32, #tpu.memory_space<vmem>>, vector<1x128x1xf32>
      %get3A_747 = vector.shape_cast %get3A_746 : vector<1x128x1xf32> to vector<128x1xf32>
      %get3A_748 = arith.constant 2 : index
      %get3A_749 = arith.index_cast %mul3A_737 : i32 to index
      %get3A_750 = arith.constant 0 : index
      %get3A_751 = vector.load %arg1[%get3A_748, %get3A_749, %get3A_750] : memref<4x2048x1xf32, #tpu.memory_space<vmem>>, vector<1x128x1xf32>
      %get3A_752 = vector.shape_cast %get3A_751 : vector<1x128x1xf32> to vector<128x1xf32>
      %get3A_753 = arith.constant 3 : index
      %get3A_754 = arith.index_cast %mul3A_737 : i32 to index
      %get3A_755 = arith.constant 0 : index
      %get3A_756 = vector.load %arg1[%get3A_753, %get3A_754, %get3A_755] : memref<4x2048x1xf32, #tpu.memory_space<vmem>>, vector<1x128x1xf32>
      %get3A_757 = vector.shape_cast %get3A_756 : vector<1x128x1xf32> to vector<128x1xf32>
      %sub3A_758 = arith.subf %get3A_752, %get3A_742 : vector<128x1xf32>
      %sub3A_759 = arith.subf %get3A_757, %get3A_747 : vector<128x1xf32>
      %mul3A_760 = arith.mulf %sub3A_758, %sub3A_759 : vector<128x1xf32>
      %min3A = vector.broadcast %get3A_752 : vector<128x1xf32> to vector<128x2048xf32>
      %min3A_761 = vector.broadcast %get3A_7 : vector<1x2048xf32> to vector<128x2048xf32>
      %min3A_762 = arith.minimumf %min3A, %min3A_761 : vector<128x2048xf32>
      %max3A = vector.broadcast %get3A_742 : vector<128x1xf32> to vector<128x2048xf32>
      %max3A_763 = vector.broadcast %get3A_1 : vector<1x2048xf32> to vector<128x2048xf32>
      %max3A_764 = arith.maximumf %max3A, %max3A_763 : vector<128x2048xf32>
      %sub3A_765 = arith.subf %min3A_762, %max3A_764 : vector<128x2048xf32>
      %max3A_766 = arith.constant 0.000000e+00 : f32
      %max3A_767 = vector.broadcast %max3A_766 : f32 to vector<128x2048xf32>
      %max3A_768 = arith.maximumf %sub3A_765, %max3A_767 : vector<128x2048xf32>
      %min3A_769 = vector.broadcast %get3A_757 : vector<128x1xf32> to vector<128x2048xf32>
      %min3A_770 = vector.broadcast %get3A_10 : vector<1x2048xf32> to vector<128x2048xf32>
      %min3A_771 = arith.minimumf %min3A_769, %min3A_770 : vector<128x2048xf32>
      %max3A_772 = vector.broadcast %get3A_747 : vector<128x1xf32> to vector<128x2048xf32>
      %max3A_773 = vector.broadcast %get3A_4 : vector<1x2048xf32> to vector<128x2048xf32>
      %max3A_774 = arith.maximumf %max3A_772, %max3A_773 : vector<128x2048xf32>
      %sub3A_775 = arith.subf %min3A_771, %max3A_774 : vector<128x2048xf32>
      %max3A_776 = arith.constant 0.000000e+00 : f32
      %max3A_777 = vector.broadcast %max3A_776 : f32 to vector<128x2048xf32>
      %max3A_778 = arith.maximumf %sub3A_775, %max3A_777 : vector<128x2048xf32>
      %mul3A_779 = arith.mulf %max3A_768, %max3A_778 : vector<128x2048xf32>
      %add3A = vector.broadcast %mul3A_760 : vector<128x1xf32> to vector<128x2048xf32>
      %add3A_780 = vector.broadcast %mul3A : vector<1x2048xf32> to vector<128x2048xf32>
      %add3A_781 = arith.addf %add3A, %add3A_780 : vector<128x2048xf32>
      %sub3A_782 = arith.subf %add3A_781, %mul3A_779 : vector<128x2048xf32>
      %add3A_783 = arith.constant 9.99999971E-10 : f32
      %add3A_784 = vector.broadcast %add3A_783 : f32 to vector<128x2048xf32>
      %add3A_785 = arith.addf %sub3A_782, %add3A_784 : vector<128x2048xf32>
      %div3A = arith.divf %mul3A_779, %add3A_785 : vector<128x2048xf32>
      %gt3A_786 = arith.constant 0.699999988 : f32
      %gt3A_787 = vector.broadcast %gt3A_786 : f32 to vector<128x2048xf32>
      %gt3A_788 = arith.cmpf ogt, %div3A, %gt3A_787 : vector<128x2048xf32>
      %convert_element_type3A_789 = arith.extui %gt3A_788 : vector<128x2048xi1> to vector<128x2048xi32>
      %convert_element_type3A_790 = arith.sitofp %convert_element_type3A_789 : vector<128x2048xi32> to vector<128x2048xf32>
      %swap3A_791 = arith.index_cast %mul3A_737 : i32 to index
      %swap3A_792 = arith.constant 0 : index
      %swap3A_793 = vector.load %arg5[%swap3A_791, %swap3A_792] : memref<2048x2048xf32, #tpu.memory_space<vmem>>, vector<128x2048xf32>
      tpu.vector_store %arg5[%swap3A_791, %swap3A_792], %convert_element_type3A_790 {strides = array<i32>} : memref<2048x2048xf32, #tpu.memory_space<vmem>>, vector<128x2048xf32>,
    }
    %scan3A_15 = arith.constant 16 : i32
    %broadcast_in_dim3A = arith.constant 1.000000e+00 : f32
    %broadcast_in_dim3A_16 = vector.broadcast %broadcast_in_dim3A : f32 to vector<1x2048xf32>
    %swap3A = arith.constant 0 : index
    %swap3A_17 = arith.constant 0 : index
    %swap3A_18 = vector.load %arg6[%swap3A, %swap3A_17] : memref<1x2048xf32, #tpu.memory_space<vmem>>, vector<1x2048xf32>
    tpu.vector_store %arg6[%swap3A, %swap3A_17], %broadcast_in_dim3A_16 {strides = array<i32>} : memref<1x2048xf32, #tpu.memory_space<vmem>>, vector<1x2048xf32>,
    %iota3A = tpu.iota {dimensions = array<i32: 1>} : vector<1x2048xi32>
    %iota3A_19 = tpu.iota {dimensions = array<i32: 1>} : vector<1x128xi32>
    %iota3A_20 = tpu.iota {dimensions = array<i32: 0>} : vector<128x128xi32>
    %iota3A_21 = tpu.iota {dimensions = array<i32: 1>} : vector<128x128xi32>
    %lt3A = arith.cmpi slt, %iota3A_20, %iota3A_21 : vector<128x128xi32>
    %convert_element_type3A = arith.extui %lt3A : vector<128x128xi1> to vector<128x128xi32>
    %convert_element_type3A_22 = arith.sitofp %convert_element_type3A : vector<128x128xi32> to vector<128x128xf32>
    %get3A_23 = arith.constant 0 : index
    %get3A_24 = arith.constant 0 : index
    %get3A_25 = vector.load %arg5[%get3A_23, %get3A_24] : memref<2048x2048xf32, #tpu.memory_space<vmem>>, vector<128x128xf32>
    %mul3A_26 = arith.mulf %get3A_25, %convert_element_type3A_22 : vector<128x128xf32>
    %swap3A_27 = arith.constant 0 : index
    %swap3A_28 = arith.constant 0 : index
    %swap3A_29 = vector.load %arg10[%swap3A_27, %swap3A_28] : memref<128x128xf32, #tpu.memory_space<vmem>>, vector<128x128xf32>
    tpu.vector_store %arg10[%swap3A_27, %swap3A_28], %mul3A_26 {strides = array<i32>} : memref<128x128xf32, #tpu.memory_space<vmem>>, vector<128x128xf32>,
    %get3A_30 = arith.constant 0 : index
    %get3A_31 = arith.constant 0 : index
    %get3A_32 = vector.load %arg6[%get3A_30, %get3A_31] : memref<1x2048xf32, #tpu.memory_space<vmem>>, vector<1x128xf32>
    %scan3A_33 = arith.constant 0 : i32
    %scan3A_34 = arith.constant 128 : i32
    %scan3A_35 = arith.addi %scan3A_33, %scan3A_34 : i32
    %scan3A_36 = arith.constant 1 : i32
    %scan3A_37 = scf.for %scan3A_735 = %scan3A_33 to %scan3A_35 step %scan3A_36 iter_args(%scan3A_736 = %get3A_32) -> (vector<1x128xf32>)  : i32 {
      %get3A_737 = arith.index_cast %scan3A_735 : i32 to index
      %get3A_738 = arith.constant 0 : index
      %get3A_739 = vector.load %arg10[%get3A_737, %get3A_738] : memref<128x128xf32, #tpu.memory_space<vmem>>, vector<1x128xf32>
      %eq3A = vector.broadcast %scan3A_735 : i32 to vector<1x128xi32>
      %eq3A_740 = arith.cmpi eq, %iota3A_19, %eq3A : vector<1x128xi32>
      %jit3A_741 = arith.constant 0.000000e+00 : f32
      %broadcast_in_dim3A_742 = vector.broadcast %jit3A_741 : f32 to vector<1x128xf32>
      %select_n3A_743 = arith.select %eq3A_740, %scan3A_736, %broadcast_in_dim3A_742 : vector<1x128xi1>, vector<1x128xf32>
      %reduce_sum3A = vector.shape_cast %select_n3A_743 : vector<1x128xf32> to vector<1x1x128xf32>
      %reduce_sum3A_744 = arith.constant dense<0.000000e+00> : vector<1xf32>
      %reduce_sum3A_745 = vector.multi_reduction <add>, %reduce_sum3A, %reduce_sum3A_744 [1, 2] : vector<1x1x128xf32> to vector<1xf32>
      %reduce_sum3A_746 = vector.shape_cast %reduce_sum3A_745 : vector<1xf32> to vector<1x1x1xf32>
      %reduce_sum3A_747 = vector.extract %reduce_sum3A_746[0, 0, 0] : f32 from vector<1x1x1xf32>
      %mul3A_748 = vector.broadcast %reduce_sum3A_747 : f32 to vector<1x128xf32>
      %mul3A_749 = arith.mulf %get3A_739, %mul3A_748 : vector<1x128xf32>
      %sub3A_750 = arith.constant 1.000000e+00 : f32
      %sub3A_751 = vector.broadcast %sub3A_750 : f32 to vector<1x128xf32>
      %sub3A_752 = arith.subf %sub3A_751, %mul3A_749 : vector<1x128xf32>
      %mul3A_753 = arith.mulf %scan3A_736, %sub3A_752 : vector<1x128xf32>
      scf.yield %mul3A_753 : vector<1x128xf32>
    }
    %scan3A_38 = arith.constant 128 : i32
    %swap3A_39 = arith.constant 0 : index
    %swap3A_40 = arith.constant 0 : index
    %swap3A_41 = vector.load %arg6[%swap3A_39, %swap3A_40] : memref<1x2048xf32, #tpu.memory_space<vmem>>, vector<1x128xf32>
    tpu.vector_store %arg6[%swap3A_39, %swap3A_40], %scan3A_37 {strides = array<i32>} : memref<1x2048xf32, #tpu.memory_space<vmem>>, vector<1x128xf32>,
    %get3A_42 = arith.constant 0 : index
    %get3A_43 = arith.constant 0 : index
    %get3A_44 = vector.load %arg5[%get3A_42, %get3A_43] : memref<2048x2048xf32, #tpu.memory_space<vmem>>, vector<128x2048xf32>
    %dot_general3A = arith.constant dense<0.000000e+00> : vector<1x2048xf32>
    %dot_general3A_45 = tpu.matmul %scan3A_37, %get3A_44, %dot_general3A {dimension_numbers = #tpu.dot_dimension_numbers<[1], [0], [0], [1], [0, 0, 1, 1], [], []>, precision = #tpu.contract_precision<fp32>, transpose_lhs_hint = false} : vector<1x128xf32>, vector<128x2048xf32>, vector<1x2048xf32> -> vector<1x2048xf32>
    %gt3A = arith.constant 5.000000e-01 : f32
    %gt3A_46 = vector.broadcast %gt3A : f32 to vector<1x2048xf32>
    %gt3A_47 = arith.cmpf ogt, %dot_general3A_45, %gt3A_46 : vector<1x2048xf32>
    %ge3A = arith.constant 128 : i32
    %ge3A_48 = vector.broadcast %ge3A : i32 to vector<1x2048xi32>
    %ge3A_49 = arith.cmpi sge, %iota3A, %ge3A_48 : vector<1x2048xi32>
    %and3A = arith.andi %gt3A_47, %ge3A_49 : vector<1x2048xi1>
    %convert_element_type3A_50 = arith.extui %and3A : vector<1x2048xi1> to vector<1x2048xi32>
    %convert_element_type3A_51 = arith.sitofp %convert_element_type3A_50 : vector<1x2048xi32> to vector<1x2048xf32>
    %get3A_52 = arith.constant 0 : index
    %get3A_53 = arith.constant 0 : index
    %get3A_54 = vector.load %arg6[%get3A_52, %get3A_53] : memref<1x2048xf32, #tpu.memory_space<vmem>>, vector<1x2048xf32>
    %sub3A_55 = arith.constant 1.000000e+00 : f32
    %sub3A_56 = vector.broadcast %sub3A_55 : f32 to vector<1x2048xf32>
    %sub3A_57 = arith.subf %sub3A_56, %convert_element_type3A_51 : vector<1x2048xf32>
    %mul3A_58 = arith.mulf %get3A_54, %sub3A_57 : vector<1x2048xf32>
    %swap3A_59 = arith.constant 0 : index
    %swap3A_60 = arith.constant 0 : index
    %swap3A_61 = vector.load %arg6[%swap3A_59, %swap3A_60] : memref<1x2048xf32, #tpu.memory_space<vmem>>, vector<1x2048xf32>
    tpu.vector_store %arg6[%swap3A_59, %swap3A_60], %mul3A_58 {strides = array<i32>} : memref<1x2048xf32, #tpu.memory_space<vmem>>, vector<1x2048xf32>,
    %get3A_62 = arith.constant 128 : index
    %get3A_63 = arith.constant 128 : index
    %get3A_64 = vector.load %arg5[%get3A_62, %get3A_63] : memref<2048x2048xf32, #tpu.memory_space<vmem>>, vector<128x128xf32>
    %mul3A_65 = arith.mulf %get3A_64, %convert_element_type3A_22 : vector<128x128xf32>
    %swap3A_66 = arith.constant 0 : index
    %swap3A_67 = arith.constant 0 : index
    %swap3A_68 = vector.load %arg10[%swap3A_66, %swap3A_67] : memref<128x128xf32, #tpu.memory_space<vmem>>, vector<128x128xf32>
    tpu.vector_store %arg10[%swap3A_66, %swap3A_67], %mul3A_65 {strides = array<i32>} : memref<128x128xf32, #tpu.memory_space<vmem>>, vector<128x128xf32>,
    %get3A_69 = arith.constant 0 : index
    %get3A_70 = arith.constant 128 : index
    %get3A_71 = vector.load %arg6[%get3A_69, %get3A_70] : memref<1x2048xf32, #tpu.memory_space<vmem>>, vector<1x128xf32>
    %scan3A_72 = arith.constant 0 : i32
    %scan3A_73 = arith.constant 128 : i32
    %scan3A_74 = arith.addi %scan3A_72, %scan3A_73 : i32
    %scan3A_75 = arith.constant 1 : i32
    %scan3A_76 = scf.for %scan3A_735 = %scan3A_72 to %scan3A_74 step %scan3A_75 iter_args(%scan3A_736 = %get3A_71) -> (vector<1x128xf32>)  : i32 {
      %get3A_737 = arith.index_cast %scan3A_735 : i32 to index
      %get3A_738 = arith.constant 0 : index
      %get3A_739 = vector.load %arg10[%get3A_737, %get3A_738] : memref<128x128xf32, #tpu.memory_space<vmem>>, vector<1x128xf32>
      %eq3A = vector.broadcast %scan3A_735 : i32 to vector<1x128xi32>
      %eq3A_740 = arith.cmpi eq, %iota3A_19, %eq3A : vector<1x128xi32>
      %jit3A_741 = arith.constant 0.000000e+00 : f32
      %broadcast_in_dim3A_742 = vector.broadcast %jit3A_741 : f32 to vector<1x128xf32>
      %select_n3A_743 = arith.select %eq3A_740, %scan3A_736, %broadcast_in_dim3A_742 : vector<1x128xi1>, vector<1x128xf32>
      %reduce_sum3A = vector.shape_cast %select_n3A_743 : vector<1x128xf32> to vector<1x1x128xf32>
      %reduce_sum3A_744 = arith.constant dense<0.000000e+00> : vector<1xf32>
      %reduce_sum3A_745 = vector.multi_reduction <add>, %reduce_sum3A, %reduce_sum3A_744 [1, 2] : vector<1x1x128xf32> to vector<1xf32>
      %reduce_sum3A_746 = vector.shape_cast %reduce_sum3A_745 : vector<1xf32> to vector<1x1x1xf32>
      %reduce_sum3A_747 = vector.extract %reduce_sum3A_746[0, 0, 0] : f32 from vector<1x1x1xf32>
      %mul3A_748 = vector.broadcast %reduce_sum3A_747 : f32 to vector<1x128xf32>
      %mul3A_749 = arith.mulf %get3A_739, %mul3A_748 : vector<1x128xf32>
      %sub3A_750 = arith.constant 1.000000e+00 : f32
      %sub3A_751 = vector.broadcast %sub3A_750 : f32 to vector<1x128xf32>
      %sub3A_752 = arith.subf %sub3A_751, %mul3A_749 : vector<1x128xf32>
      %mul3A_753 = arith.mulf %scan3A_736, %sub3A_752 : vector<1x128xf32>
      scf.yield %mul3A_753 : vector<1x128xf32>
    }
    %scan3A_77 = arith.constant 128 : i32
    %swap3A_78 = arith.constant 0 : index
    %swap3A_79 = arith.constant 128 : index
    %swap3A_80 = vector.load %arg6[%swap3A_78, %swap3A_79] : memref<1x2048xf32, #tpu.memory_space<vmem>>, vector<1x128xf32>
    tpu.vector_store %arg6[%swap3A_78, %swap3A_79], %scan3A_76 {strides = array<i32>} : memref<1x2048xf32, #tpu.memory_space<vmem>>, vector<1x128xf32>,
    %get3A_81 = arith.constant 128 : index
    %get3A_82 = arith.constant 0 : index
    %get3A_83 = vector.load %arg5[%get3A_81, %get3A_82] : memref<2048x2048xf32, #tpu.memory_space<vmem>>, vector<128x2048xf32>
    %dot_general3A_84 = arith.constant dense<0.000000e+00> : vector<1x2048xf32>
    %dot_general3A_85 = tpu.matmul %scan3A_76, %get3A_83, %dot_general3A_84 {dimension_numbers = #tpu.dot_dimension_numbers<[1], [0], [0], [1], [0, 0, 1, 1], [], []>, precision = #tpu.contract_precision<fp32>, transpose_lhs_hint = false} : vector<1x128xf32>, vector<128x2048xf32>, vector<1x2048xf32> -> vector<1x2048xf32>
    %gt3A_86 = arith.constant 5.000000e-01 : f32
    %gt3A_87 = vector.broadcast %gt3A_86 : f32 to vector<1x2048xf32>
    %gt3A_88 = arith.cmpf ogt, %dot_general3A_85, %gt3A_87 : vector<1x2048xf32>
    %ge3A_89 = arith.constant 256 : i32
    %ge3A_90 = vector.broadcast %ge3A_89 : i32 to vector<1x2048xi32>
    %ge3A_91 = arith.cmpi sge, %iota3A, %ge3A_90 : vector<1x2048xi32>
    %and3A_92 = arith.andi %gt3A_88, %ge3A_91 : vector<1x2048xi1>
    %convert_element_type3A_93 = arith.extui %and3A_92 : vector<1x2048xi1> to vector<1x2048xi32>
    %convert_element_type3A_94 = arith.sitofp %convert_element_type3A_93 : vector<1x2048xi32> to vector<1x2048xf32>
    %get3A_95 = arith.constant 0 : index
    %get3A_96 = arith.constant 0 : index
    %get3A_97 = vector.load %arg6[%get3A_95, %get3A_96] : memref<1x2048xf32, #tpu.memory_space<vmem>>, vector<1x2048xf32>
    %sub3A_98 = arith.constant 1.000000e+00 : f32
    %sub3A_99 = vector.broadcast %sub3A_98 : f32 to vector<1x2048xf32>
    %sub3A_100 = arith.subf %sub3A_99, %convert_element_type3A_94 : vector<1x2048xf32>
    %mul3A_101 = arith.mulf %get3A_97, %sub3A_100 : vector<1x2048xf32>
    %swap3A_102 = arith.constant 0 : index
    %swap3A_103 = arith.constant 0 : index
    %swap3A_104 = vector.load %arg6[%swap3A_102, %swap3A_103] : memref<1x2048xf32, #tpu.memory_space<vmem>>, vector<1x2048xf32>
    tpu.vector_store %arg6[%swap3A_102, %swap3A_103], %mul3A_101 {strides = array<i32>} : memref<1x2048xf32, #tpu.memory_space<vmem>>, vector<1x2048xf32>,
    %get3A_105 = arith.constant 256 : index
    %get3A_106 = arith.constant 256 : index
    %get3A_107 = vector.load %arg5[%get3A_105, %get3A_106] : memref<2048x2048xf32, #tpu.memory_space<vmem>>, vector<128x128xf32>
    %mul3A_108 = arith.mulf %get3A_107, %convert_element_type3A_22 : vector<128x128xf32>
    %swap3A_109 = arith.constant 0 : index
    %swap3A_110 = arith.constant 0 : index
    %swap3A_111 = vector.load %arg10[%swap3A_109, %swap3A_110] : memref<128x128xf32, #tpu.memory_space<vmem>>, vector<128x128xf32>
    tpu.vector_store %arg10[%swap3A_109, %swap3A_110], %mul3A_108 {strides = array<i32>} : memref<128x128xf32, #tpu.memory_space<vmem>>, vector<128x128xf32>,
    %get3A_112 = arith.constant 0 : index
    %get3A_113 = arith.constant 256 : index
    %get3A_114 = vector.load %arg6[%get3A_112, %get3A_113] : memref<1x2048xf32, #tpu.memory_space<vmem>>, vector<1x128xf32>
    %scan3A_115 = arith.constant 0 : i32
    %scan3A_116 = arith.constant 128 : i32
    %scan3A_117 = arith.addi %scan3A_115, %scan3A_116 : i32
    %scan3A_118 = arith.constant 1 : i32
    %scan3A_119 = scf.for %scan3A_735 = %scan3A_115 to %scan3A_117 step %scan3A_118 iter_args(%scan3A_736 = %get3A_114) -> (vector<1x128xf32>)  : i32 {
      %get3A_737 = arith.index_cast %scan3A_735 : i32 to index
      %get3A_738 = arith.constant 0 : index
      %get3A_739 = vector.load %arg10[%get3A_737, %get3A_738] : memref<128x128xf32, #tpu.memory_space<vmem>>, vector<1x128xf32>
      %eq3A = vector.broadcast %scan3A_735 : i32 to vector<1x128xi32>
      %eq3A_740 = arith.cmpi eq, %iota3A_19, %eq3A : vector<1x128xi32>
      %jit3A_741 = arith.constant 0.000000e+00 : f32
      %broadcast_in_dim3A_742 = vector.broadcast %jit3A_741 : f32 to vector<1x128xf32>
      %select_n3A_743 = arith.select %eq3A_740, %scan3A_736, %broadcast_in_dim3A_742 : vector<1x128xi1>, vector<1x128xf32>
      %reduce_sum3A = vector.shape_cast %select_n3A_743 : vector<1x128xf32> to vector<1x1x128xf32>
      %reduce_sum3A_744 = arith.constant dense<0.000000e+00> : vector<1xf32>
      %reduce_sum3A_745 = vector.multi_reduction <add>, %reduce_sum3A, %reduce_sum3A_744 [1, 2] : vector<1x1x128xf32> to vector<1xf32>
      %reduce_sum3A_746 = vector.shape_cast %reduce_sum3A_745 : vector<1xf32> to vector<1x1x1xf32>
      %reduce_sum3A_747 = vector.extract %reduce_sum3A_746[0, 0, 0] : f32 from vector<1x1x1xf32>
      %mul3A_748 = vector.broadcast %reduce_sum3A_747 : f32 to vector<1x128xf32>
      %mul3A_749 = arith.mulf %get3A_739, %mul3A_748 : vector<1x128xf32>
      %sub3A_750 = arith.constant 1.000000e+00 : f32
      %sub3A_751 = vector.broadcast %sub3A_750 : f32 to vector<1x128xf32>
      %sub3A_752 = arith.subf %sub3A_751, %mul3A_749 : vector<1x128xf32>
      %mul3A_753 = arith.mulf %scan3A_736, %sub3A_752 : vector<1x128xf32>
      scf.yield %mul3A_753 : vector<1x128xf32>
    }
    %scan3A_120 = arith.constant 128 : i32
    %swap3A_121 = arith.constant 0 : index
    %swap3A_122 = arith.constant 256 : index
    %swap3A_123 = vector.load %arg6[%swap3A_121, %swap3A_122] : memref<1x2048xf32, #tpu.memory_space<vmem>>, vector<1x128xf32>
    tpu.vector_store %arg6[%swap3A_121, %swap3A_122], %scan3A_119 {strides = array<i32>} : memref<1x2048xf32, #tpu.memory_space<vmem>>, vector<1x128xf32>,
    %get3A_124 = arith.constant 256 : index
    %get3A_125 = arith.constant 0 : index
    %get3A_126 = vector.load %arg5[%get3A_124, %get3A_125] : memref<2048x2048xf32, #tpu.memory_space<vmem>>, vector<128x2048xf32>
    %dot_general3A_127 = arith.constant dense<0.000000e+00> : vector<1x2048xf32>
    %dot_general3A_128 = tpu.matmul %scan3A_119, %get3A_126, %dot_general3A_127 {dimension_numbers = #tpu.dot_dimension_numbers<[1], [0], [0], [1], [0, 0, 1, 1], [], []>, precision = #tpu.contract_precision<fp32>, transpose_lhs_hint = false} : vector<1x128xf32>, vector<128x2048xf32>, vector<1x2048xf32> -> vector<1x2048xf32>
    %gt3A_129 = arith.constant 5.000000e-01 : f32
    %gt3A_130 = vector.broadcast %gt3A_129 : f32 to vector<1x2048xf32>
    %gt3A_131 = arith.cmpf ogt, %dot_general3A_128, %gt3A_130 : vector<1x2048xf32>
    %ge3A_132 = arith.constant 384 : i32
    %ge3A_133 = vector.broadcast %ge3A_132 : i32 to vector<1x2048xi32>
    %ge3A_134 = arith.cmpi sge, %iota3A, %ge3A_133 : vector<1x2048xi32>
    %and3A_135 = arith.andi %gt3A_131, %ge3A_134 : vector<1x2048xi1>
    %convert_element_type3A_136 = arith.extui %and3A_135 : vector<1x2048xi1> to vector<1x2048xi32>
    %convert_element_type3A_137 = arith.sitofp %convert_element_type3A_136 : vector<1x2048xi32> to vector<1x2048xf32>
    %get3A_138 = arith.constant 0 : index
    %get3A_139 = arith.constant 0 : index
    %get3A_140 = vector.load %arg6[%get3A_138, %get3A_139] : memref<1x2048xf32, #tpu.memory_space<vmem>>, vector<1x2048xf32>
    %sub3A_141 = arith.constant 1.000000e+00 : f32
    %sub3A_142 = vector.broadcast %sub3A_141 : f32 to vector<1x2048xf32>
    %sub3A_143 = arith.subf %sub3A_142, %convert_element_type3A_137 : vector<1x2048xf32>
    %mul3A_144 = arith.mulf %get3A_140, %sub3A_143 : vector<1x2048xf32>
    %swap3A_145 = arith.constant 0 : index
    %swap3A_146 = arith.constant 0 : index
    %swap3A_147 = vector.load %arg6[%swap3A_145, %swap3A_146] : memref<1x2048xf32, #tpu.memory_space<vmem>>, vector<1x2048xf32>
    tpu.vector_store %arg6[%swap3A_145, %swap3A_146], %mul3A_144 {strides = array<i32>} : memref<1x2048xf32, #tpu.memory_space<vmem>>, vector<1x2048xf32>,
    %get3A_148 = arith.constant 384 : index
    %get3A_149 = arith.constant 384 : index
    %get3A_150 = vector.load %arg5[%get3A_148, %get3A_149] : memref<2048x2048xf32, #tpu.memory_space<vmem>>, vector<128x128xf32>
    %mul3A_151 = arith.mulf %get3A_150, %convert_element_type3A_22 : vector<128x128xf32>
    %swap3A_152 = arith.constant 0 : index
    %swap3A_153 = arith.constant 0 : index
    %swap3A_154 = vector.load %arg10[%swap3A_152, %swap3A_153] : memref<128x128xf32, #tpu.memory_space<vmem>>, vector<128x128xf32>
    tpu.vector_store %arg10[%swap3A_152, %swap3A_153], %mul3A_151 {strides = array<i32>} : memref<128x128xf32, #tpu.memory_space<vmem>>, vector<128x128xf32>,
    %get3A_155 = arith.constant 0 : index
    %get3A_156 = arith.constant 384 : index
    %get3A_157 = vector.load %arg6[%get3A_155, %get3A_156] : memref<1x2048xf32, #tpu.memory_space<vmem>>, vector<1x128xf32>
    %scan3A_158 = arith.constant 0 : i32
    %scan3A_159 = arith.constant 128 : i32
    %scan3A_160 = arith.addi %scan3A_158, %scan3A_159 : i32
    %scan3A_161 = arith.constant 1 : i32
    %scan3A_162 = scf.for %scan3A_735 = %scan3A_158 to %scan3A_160 step %scan3A_161 iter_args(%scan3A_736 = %get3A_157) -> (vector<1x128xf32>)  : i32 {
      %get3A_737 = arith.index_cast %scan3A_735 : i32 to index
      %get3A_738 = arith.constant 0 : index
      %get3A_739 = vector.load %arg10[%get3A_737, %get3A_738] : memref<128x128xf32, #tpu.memory_space<vmem>>, vector<1x128xf32>
      %eq3A = vector.broadcast %scan3A_735 : i32 to vector<1x128xi32>
      %eq3A_740 = arith.cmpi eq, %iota3A_19, %eq3A : vector<1x128xi32>
      %jit3A_741 = arith.constant 0.000000e+00 : f32
      %broadcast_in_dim3A_742 = vector.broadcast %jit3A_741 : f32 to vector<1x128xf32>
      %select_n3A_743 = arith.select %eq3A_740, %scan3A_736, %broadcast_in_dim3A_742 : vector<1x128xi1>, vector<1x128xf32>
      %reduce_sum3A = vector.shape_cast %select_n3A_743 : vector<1x128xf32> to vector<1x1x128xf32>
      %reduce_sum3A_744 = arith.constant dense<0.000000e+00> : vector<1xf32>
      %reduce_sum3A_745 = vector.multi_reduction <add>, %reduce_sum3A, %reduce_sum3A_744 [1, 2] : vector<1x1x128xf32> to vector<1xf32>
      %reduce_sum3A_746 = vector.shape_cast %reduce_sum3A_745 : vector<1xf32> to vector<1x1x1xf32>
      %reduce_sum3A_747 = vector.extract %reduce_sum3A_746[0, 0, 0] : f32 from vector<1x1x1xf32>
      %mul3A_748 = vector.broadcast %reduce_sum3A_747 : f32 to vector<1x128xf32>
      %mul3A_749 = arith.mulf %get3A_739, %mul3A_748 : vector<1x128xf32>
      %sub3A_750 = arith.constant 1.000000e+00 : f32
      %sub3A_751 = vector.broadcast %sub3A_750 : f32 to vector<1x128xf32>
      %sub3A_752 = arith.subf %sub3A_751, %mul3A_749 : vector<1x128xf32>
      %mul3A_753 = arith.mulf %scan3A_736, %sub3A_752 : vector<1x128xf32>
      scf.yield %mul3A_753 : vector<1x128xf32>
    }
    %scan3A_163 = arith.constant 128 : i32
    %swap3A_164 = arith.constant 0 : index
    %swap3A_165 = arith.constant 384 : index
    %swap3A_166 = vector.load %arg6[%swap3A_164, %swap3A_165] : memref<1x2048xf32, #tpu.memory_space<vmem>>, vector<1x128xf32>
    tpu.vector_store %arg6[%swap3A_164, %swap3A_165], %scan3A_162 {strides = array<i32>} : memref<1x2048xf32, #tpu.memory_space<vmem>>, vector<1x128xf32>,
    %get3A_167 = arith.constant 384 : index
    %get3A_168 = arith.constant 0 : index
    %get3A_169 = vector.load %arg5[%get3A_167, %get3A_168] : memref<2048x2048xf32, #tpu.memory_space<vmem>>, vector<128x2048xf32>
    %dot_general3A_170 = arith.constant dense<0.000000e+00> : vector<1x2048xf32>
    %dot_general3A_171 = tpu.matmul %scan3A_162, %get3A_169, %dot_general3A_170 {dimension_numbers = #tpu.dot_dimension_numbers<[1], [0], [0], [1], [0, 0, 1, 1], [], []>, precision = #tpu.contract_precision<fp32>, transpose_lhs_hint = false} : vector<1x128xf32>, vector<128x2048xf32>, vector<1x2048xf32> -> vector<1x2048xf32>
    %gt3A_172 = arith.constant 5.000000e-01 : f32
    %gt3A_173 = vector.broadcast %gt3A_172 : f32 to vector<1x2048xf32>
    %gt3A_174 = arith.cmpf ogt, %dot_general3A_171, %gt3A_173 : vector<1x2048xf32>
    %ge3A_175 = arith.constant 512 : i32
    %ge3A_176 = vector.broadcast %ge3A_175 : i32 to vector<1x2048xi32>
    %ge3A_177 = arith.cmpi sge, %iota3A, %ge3A_176 : vector<1x2048xi32>
    %and3A_178 = arith.andi %gt3A_174, %ge3A_177 : vector<1x2048xi1>
    %convert_element_type3A_179 = arith.extui %and3A_178 : vector<1x2048xi1> to vector<1x2048xi32>
    %convert_element_type3A_180 = arith.sitofp %convert_element_type3A_179 : vector<1x2048xi32> to vector<1x2048xf32>
    %get3A_181 = arith.constant 0 : index
    %get3A_182 = arith.constant 0 : index
    %get3A_183 = vector.load %arg6[%get3A_181, %get3A_182] : memref<1x2048xf32, #tpu.memory_space<vmem>>, vector<1x2048xf32>
    %sub3A_184 = arith.constant 1.000000e+00 : f32
    %sub3A_185 = vector.broadcast %sub3A_184 : f32 to vector<1x2048xf32>
    %sub3A_186 = arith.subf %sub3A_185, %convert_element_type3A_180 : vector<1x2048xf32>
    %mul3A_187 = arith.mulf %get3A_183, %sub3A_186 : vector<1x2048xf32>
    %swap3A_188 = arith.constant 0 : index
    %swap3A_189 = arith.constant 0 : index
    %swap3A_190 = vector.load %arg6[%swap3A_188, %swap3A_189] : memref<1x2048xf32, #tpu.memory_space<vmem>>, vector<1x2048xf32>
    tpu.vector_store %arg6[%swap3A_188, %swap3A_189], %mul3A_187 {strides = array<i32>} : memref<1x2048xf32, #tpu.memory_space<vmem>>, vector<1x2048xf32>,
    %get3A_191 = arith.constant 512 : index
    %get3A_192 = arith.constant 512 : index
    %get3A_193 = vector.load %arg5[%get3A_191, %get3A_192] : memref<2048x2048xf32, #tpu.memory_space<vmem>>, vector<128x128xf32>
    %mul3A_194 = arith.mulf %get3A_193, %convert_element_type3A_22 : vector<128x128xf32>
    %swap3A_195 = arith.constant 0 : index
    %swap3A_196 = arith.constant 0 : index
    %swap3A_197 = vector.load %arg10[%swap3A_195, %swap3A_196] : memref<128x128xf32, #tpu.memory_space<vmem>>, vector<128x128xf32>
    tpu.vector_store %arg10[%swap3A_195, %swap3A_196], %mul3A_194 {strides = array<i32>} : memref<128x128xf32, #tpu.memory_space<vmem>>, vector<128x128xf32>,
    %get3A_198 = arith.constant 0 : index
    %get3A_199 = arith.constant 512 : index
    %get3A_200 = vector.load %arg6[%get3A_198, %get3A_199] : memref<1x2048xf32, #tpu.memory_space<vmem>>, vector<1x128xf32>
    %scan3A_201 = arith.constant 0 : i32
    %scan3A_202 = arith.constant 128 : i32
    %scan3A_203 = arith.addi %scan3A_201, %scan3A_202 : i32
    %scan3A_204 = arith.constant 1 : i32
    %scan3A_205 = scf.for %scan3A_735 = %scan3A_201 to %scan3A_203 step %scan3A_204 iter_args(%scan3A_736 = %get3A_200) -> (vector<1x128xf32>)  : i32 {
      %get3A_737 = arith.index_cast %scan3A_735 : i32 to index
      %get3A_738 = arith.constant 0 : index
      %get3A_739 = vector.load %arg10[%get3A_737, %get3A_738] : memref<128x128xf32, #tpu.memory_space<vmem>>, vector<1x128xf32>
      %eq3A = vector.broadcast %scan3A_735 : i32 to vector<1x128xi32>
      %eq3A_740 = arith.cmpi eq, %iota3A_19, %eq3A : vector<1x128xi32>
      %jit3A_741 = arith.constant 0.000000e+00 : f32
      %broadcast_in_dim3A_742 = vector.broadcast %jit3A_741 : f32 to vector<1x128xf32>
      %select_n3A_743 = arith.select %eq3A_740, %scan3A_736, %broadcast_in_dim3A_742 : vector<1x128xi1>, vector<1x128xf32>
      %reduce_sum3A = vector.shape_cast %select_n3A_743 : vector<1x128xf32> to vector<1x1x128xf32>
      %reduce_sum3A_744 = arith.constant dense<0.000000e+00> : vector<1xf32>
      %reduce_sum3A_745 = vector.multi_reduction <add>, %reduce_sum3A, %reduce_sum3A_744 [1, 2] : vector<1x1x128xf32> to vector<1xf32>
      %reduce_sum3A_746 = vector.shape_cast %reduce_sum3A_745 : vector<1xf32> to vector<1x1x1xf32>
      %reduce_sum3A_747 = vector.extract %reduce_sum3A_746[0, 0, 0] : f32 from vector<1x1x1xf32>
      %mul3A_748 = vector.broadcast %reduce_sum3A_747 : f32 to vector<1x128xf32>
      %mul3A_749 = arith.mulf %get3A_739, %mul3A_748 : vector<1x128xf32>
      %sub3A_750 = arith.constant 1.000000e+00 : f32
      %sub3A_751 = vector.broadcast %sub3A_750 : f32 to vector<1x128xf32>
      %sub3A_752 = arith.subf %sub3A_751, %mul3A_749 : vector<1x128xf32>
      %mul3A_753 = arith.mulf %scan3A_736, %sub3A_752 : vector<1x128xf32>
      scf.yield %mul3A_753 : vector<1x128xf32>
    }
    %scan3A_206 = arith.constant 128 : i32
    %swap3A_207 = arith.constant 0 : index
    %swap3A_208 = arith.constant 512 : index
    %swap3A_209 = vector.load %arg6[%swap3A_207, %swap3A_208] : memref<1x2048xf32, #tpu.memory_space<vmem>>, vector<1x128xf32>
    tpu.vector_store %arg6[%swap3A_207, %swap3A_208], %scan3A_205 {strides = array<i32>} : memref<1x2048xf32, #tpu.memory_space<vmem>>, vector<1x128xf32>,
    %get3A_210 = arith.constant 512 : index
    %get3A_211 = arith.constant 0 : index
    %get3A_212 = vector.load %arg5[%get3A_210, %get3A_211] : memref<2048x2048xf32, #tpu.memory_space<vmem>>, vector<128x2048xf32>
    %dot_general3A_213 = arith.constant dense<0.000000e+00> : vector<1x2048xf32>
    %dot_general3A_214 = tpu.matmul %scan3A_205, %get3A_212, %dot_general3A_213 {dimension_numbers = #tpu.dot_dimension_numbers<[1], [0], [0], [1], [0, 0, 1, 1], [], []>, precision = #tpu.contract_precision<fp32>, transpose_lhs_hint = false} : vector<1x128xf32>, vector<128x2048xf32>, vector<1x2048xf32> -> vector<1x2048xf32>
    %gt3A_215 = arith.constant 5.000000e-01 : f32
    %gt3A_216 = vector.broadcast %gt3A_215 : f32 to vector<1x2048xf32>
    %gt3A_217 = arith.cmpf ogt, %dot_general3A_214, %gt3A_216 : vector<1x2048xf32>
    %ge3A_218 = arith.constant 640 : i32
    %ge3A_219 = vector.broadcast %ge3A_218 : i32 to vector<1x2048xi32>
    %ge3A_220 = arith.cmpi sge, %iota3A, %ge3A_219 : vector<1x2048xi32>
    %and3A_221 = arith.andi %gt3A_217, %ge3A_220 : vector<1x2048xi1>
    %convert_element_type3A_222 = arith.extui %and3A_221 : vector<1x2048xi1> to vector<1x2048xi32>
    %convert_element_type3A_223 = arith.sitofp %convert_element_type3A_222 : vector<1x2048xi32> to vector<1x2048xf32>
    %get3A_224 = arith.constant 0 : index
    %get3A_225 = arith.constant 0 : index
    %get3A_226 = vector.load %arg6[%get3A_224, %get3A_225] : memref<1x2048xf32, #tpu.memory_space<vmem>>, vector<1x2048xf32>
    %sub3A_227 = arith.constant 1.000000e+00 : f32
    %sub3A_228 = vector.broadcast %sub3A_227 : f32 to vector<1x2048xf32>
    %sub3A_229 = arith.subf %sub3A_228, %convert_element_type3A_223 : vector<1x2048xf32>
    %mul3A_230 = arith.mulf %get3A_226, %sub3A_229 : vector<1x2048xf32>
    %swap3A_231 = arith.constant 0 : index
    %swap3A_232 = arith.constant 0 : index
    %swap3A_233 = vector.load %arg6[%swap3A_231, %swap3A_232] : memref<1x2048xf32, #tpu.memory_space<vmem>>, vector<1x2048xf32>
    tpu.vector_store %arg6[%swap3A_231, %swap3A_232], %mul3A_230 {strides = array<i32>} : memref<1x2048xf32, #tpu.memory_space<vmem>>, vector<1x2048xf32>,
    %get3A_234 = arith.constant 640 : index
    %get3A_235 = arith.constant 640 : index
    %get3A_236 = vector.load %arg5[%get3A_234, %get3A_235] : memref<2048x2048xf32, #tpu.memory_space<vmem>>, vector<128x128xf32>
    %mul3A_237 = arith.mulf %get3A_236, %convert_element_type3A_22 : vector<128x128xf32>
    %swap3A_238 = arith.constant 0 : index
    %swap3A_239 = arith.constant 0 : index
    %swap3A_240 = vector.load %arg10[%swap3A_238, %swap3A_239] : memref<128x128xf32, #tpu.memory_space<vmem>>, vector<128x128xf32>
    tpu.vector_store %arg10[%swap3A_238, %swap3A_239], %mul3A_237 {strides = array<i32>} : memref<128x128xf32, #tpu.memory_space<vmem>>, vector<128x128xf32>,
    %get3A_241 = arith.constant 0 : index
    %get3A_242 = arith.constant 640 : index
    %get3A_243 = vector.load %arg6[%get3A_241, %get3A_242] : memref<1x2048xf32, #tpu.memory_space<vmem>>, vector<1x128xf32>
    %scan3A_244 = arith.constant 0 : i32
    %scan3A_245 = arith.constant 128 : i32
    %scan3A_246 = arith.addi %scan3A_244, %scan3A_245 : i32
    %scan3A_247 = arith.constant 1 : i32
    %scan3A_248 = scf.for %scan3A_735 = %scan3A_244 to %scan3A_246 step %scan3A_247 iter_args(%scan3A_736 = %get3A_243) -> (vector<1x128xf32>)  : i32 {
      %get3A_737 = arith.index_cast %scan3A_735 : i32 to index
      %get3A_738 = arith.constant 0 : index
      %get3A_739 = vector.load %arg10[%get3A_737, %get3A_738] : memref<128x128xf32, #tpu.memory_space<vmem>>, vector<1x128xf32>
      %eq3A = vector.broadcast %scan3A_735 : i32 to vector<1x128xi32>
      %eq3A_740 = arith.cmpi eq, %iota3A_19, %eq3A : vector<1x128xi32>
      %jit3A_741 = arith.constant 0.000000e+00 : f32
      %broadcast_in_dim3A_742 = vector.broadcast %jit3A_741 : f32 to vector<1x128xf32>
      %select_n3A_743 = arith.select %eq3A_740, %scan3A_736, %broadcast_in_dim3A_742 : vector<1x128xi1>, vector<1x128xf32>
      %reduce_sum3A = vector.shape_cast %select_n3A_743 : vector<1x128xf32> to vector<1x1x128xf32>
      %reduce_sum3A_744 = arith.constant dense<0.000000e+00> : vector<1xf32>
      %reduce_sum3A_745 = vector.multi_reduction <add>, %reduce_sum3A, %reduce_sum3A_744 [1, 2] : vector<1x1x128xf32> to vector<1xf32>
      %reduce_sum3A_746 = vector.shape_cast %reduce_sum3A_745 : vector<1xf32> to vector<1x1x1xf32>
      %reduce_sum3A_747 = vector.extract %reduce_sum3A_746[0, 0, 0] : f32 from vector<1x1x1xf32>
      %mul3A_748 = vector.broadcast %reduce_sum3A_747 : f32 to vector<1x128xf32>
      %mul3A_749 = arith.mulf %get3A_739, %mul3A_748 : vector<1x128xf32>
      %sub3A_750 = arith.constant 1.000000e+00 : f32
      %sub3A_751 = vector.broadcast %sub3A_750 : f32 to vector<1x128xf32>
      %sub3A_752 = arith.subf %sub3A_751, %mul3A_749 : vector<1x128xf32>
      %mul3A_753 = arith.mulf %scan3A_736, %sub3A_752 : vector<1x128xf32>
      scf.yield %mul3A_753 : vector<1x128xf32>
    }
    %scan3A_249 = arith.constant 128 : i32
    %swap3A_250 = arith.constant 0 : index
    %swap3A_251 = arith.constant 640 : index
    %swap3A_252 = vector.load %arg6[%swap3A_250, %swap3A_251] : memref<1x2048xf32, #tpu.memory_space<vmem>>, vector<1x128xf32>
    tpu.vector_store %arg6[%swap3A_250, %swap3A_251], %scan3A_248 {strides = array<i32>} : memref<1x2048xf32, #tpu.memory_space<vmem>>, vector<1x128xf32>,
    %get3A_253 = arith.constant 640 : index
    %get3A_254 = arith.constant 0 : index
    %get3A_255 = vector.load %arg5[%get3A_253, %get3A_254] : memref<2048x2048xf32, #tpu.memory_space<vmem>>, vector<128x2048xf32>
    %dot_general3A_256 = arith.constant dense<0.000000e+00> : vector<1x2048xf32>
    %dot_general3A_257 = tpu.matmul %scan3A_248, %get3A_255, %dot_general3A_256 {dimension_numbers = #tpu.dot_dimension_numbers<[1], [0], [0], [1], [0, 0, 1, 1], [], []>, precision = #tpu.contract_precision<fp32>, transpose_lhs_hint = false} : vector<1x128xf32>, vector<128x2048xf32>, vector<1x2048xf32> -> vector<1x2048xf32>
    %gt3A_258 = arith.constant 5.000000e-01 : f32
    %gt3A_259 = vector.broadcast %gt3A_258 : f32 to vector<1x2048xf32>
    %gt3A_260 = arith.cmpf ogt, %dot_general3A_257, %gt3A_259 : vector<1x2048xf32>
    %ge3A_261 = arith.constant 768 : i32
    %ge3A_262 = vector.broadcast %ge3A_261 : i32 to vector<1x2048xi32>
    %ge3A_263 = arith.cmpi sge, %iota3A, %ge3A_262 : vector<1x2048xi32>
    %and3A_264 = arith.andi %gt3A_260, %ge3A_263 : vector<1x2048xi1>
    %convert_element_type3A_265 = arith.extui %and3A_264 : vector<1x2048xi1> to vector<1x2048xi32>
    %convert_element_type3A_266 = arith.sitofp %convert_element_type3A_265 : vector<1x2048xi32> to vector<1x2048xf32>
    %get3A_267 = arith.constant 0 : index
    %get3A_268 = arith.constant 0 : index
    %get3A_269 = vector.load %arg6[%get3A_267, %get3A_268] : memref<1x2048xf32, #tpu.memory_space<vmem>>, vector<1x2048xf32>
    %sub3A_270 = arith.constant 1.000000e+00 : f32
    %sub3A_271 = vector.broadcast %sub3A_270 : f32 to vector<1x2048xf32>
    %sub3A_272 = arith.subf %sub3A_271, %convert_element_type3A_266 : vector<1x2048xf32>
    %mul3A_273 = arith.mulf %get3A_269, %sub3A_272 : vector<1x2048xf32>
    %swap3A_274 = arith.constant 0 : index
    %swap3A_275 = arith.constant 0 : index
    %swap3A_276 = vector.load %arg6[%swap3A_274, %swap3A_275] : memref<1x2048xf32, #tpu.memory_space<vmem>>, vector<1x2048xf32>
    tpu.vector_store %arg6[%swap3A_274, %swap3A_275], %mul3A_273 {strides = array<i32>} : memref<1x2048xf32, #tpu.memory_space<vmem>>, vector<1x2048xf32>,
    %get3A_277 = arith.constant 768 : index
    %get3A_278 = arith.constant 768 : index
    %get3A_279 = vector.load %arg5[%get3A_277, %get3A_278] : memref<2048x2048xf32, #tpu.memory_space<vmem>>, vector<128x128xf32>
    %mul3A_280 = arith.mulf %get3A_279, %convert_element_type3A_22 : vector<128x128xf32>
    %swap3A_281 = arith.constant 0 : index
    %swap3A_282 = arith.constant 0 : index
    %swap3A_283 = vector.load %arg10[%swap3A_281, %swap3A_282] : memref<128x128xf32, #tpu.memory_space<vmem>>, vector<128x128xf32>
    tpu.vector_store %arg10[%swap3A_281, %swap3A_282], %mul3A_280 {strides = array<i32>} : memref<128x128xf32, #tpu.memory_space<vmem>>, vector<128x128xf32>,
    %get3A_284 = arith.constant 0 : index
    %get3A_285 = arith.constant 768 : index
    %get3A_286 = vector.load %arg6[%get3A_284, %get3A_285] : memref<1x2048xf32, #tpu.memory_space<vmem>>, vector<1x128xf32>
    %scan3A_287 = arith.constant 0 : i32
    %scan3A_288 = arith.constant 128 : i32
    %scan3A_289 = arith.addi %scan3A_287, %scan3A_288 : i32
    %scan3A_290 = arith.constant 1 : i32
    %scan3A_291 = scf.for %scan3A_735 = %scan3A_287 to %scan3A_289 step %scan3A_290 iter_args(%scan3A_736 = %get3A_286) -> (vector<1x128xf32>)  : i32 {
      %get3A_737 = arith.index_cast %scan3A_735 : i32 to index
      %get3A_738 = arith.constant 0 : index
      %get3A_739 = vector.load %arg10[%get3A_737, %get3A_738] : memref<128x128xf32, #tpu.memory_space<vmem>>, vector<1x128xf32>
      %eq3A = vector.broadcast %scan3A_735 : i32 to vector<1x128xi32>
      %eq3A_740 = arith.cmpi eq, %iota3A_19, %eq3A : vector<1x128xi32>
      %jit3A_741 = arith.constant 0.000000e+00 : f32
      %broadcast_in_dim3A_742 = vector.broadcast %jit3A_741 : f32 to vector<1x128xf32>
      %select_n3A_743 = arith.select %eq3A_740, %scan3A_736, %broadcast_in_dim3A_742 : vector<1x128xi1>, vector<1x128xf32>
      %reduce_sum3A = vector.shape_cast %select_n3A_743 : vector<1x128xf32> to vector<1x1x128xf32>
      %reduce_sum3A_744 = arith.constant dense<0.000000e+00> : vector<1xf32>
      %reduce_sum3A_745 = vector.multi_reduction <add>, %reduce_sum3A, %reduce_sum3A_744 [1, 2] : vector<1x1x128xf32> to vector<1xf32>
      %reduce_sum3A_746 = vector.shape_cast %reduce_sum3A_745 : vector<1xf32> to vector<1x1x1xf32>
      %reduce_sum3A_747 = vector.extract %reduce_sum3A_746[0, 0, 0] : f32 from vector<1x1x1xf32>
      %mul3A_748 = vector.broadcast %reduce_sum3A_747 : f32 to vector<1x128xf32>
      %mul3A_749 = arith.mulf %get3A_739, %mul3A_748 : vector<1x128xf32>
      %sub3A_750 = arith.constant 1.000000e+00 : f32
      %sub3A_751 = vector.broadcast %sub3A_750 : f32 to vector<1x128xf32>
      %sub3A_752 = arith.subf %sub3A_751, %mul3A_749 : vector<1x128xf32>
      %mul3A_753 = arith.mulf %scan3A_736, %sub3A_752 : vector<1x128xf32>
      scf.yield %mul3A_753 : vector<1x128xf32>
    }
    %scan3A_292 = arith.constant 128 : i32
    %swap3A_293 = arith.constant 0 : index
    %swap3A_294 = arith.constant 768 : index
    %swap3A_295 = vector.load %arg6[%swap3A_293, %swap3A_294] : memref<1x2048xf32, #tpu.memory_space<vmem>>, vector<1x128xf32>
    tpu.vector_store %arg6[%swap3A_293, %swap3A_294], %scan3A_291 {strides = array<i32>} : memref<1x2048xf32, #tpu.memory_space<vmem>>, vector<1x128xf32>,
    %get3A_296 = arith.constant 768 : index
    %get3A_297 = arith.constant 0 : index
    %get3A_298 = vector.load %arg5[%get3A_296, %get3A_297] : memref<2048x2048xf32, #tpu.memory_space<vmem>>, vector<128x2048xf32>
    %dot_general3A_299 = arith.constant dense<0.000000e+00> : vector<1x2048xf32>
    %dot_general3A_300 = tpu.matmul %scan3A_291, %get3A_298, %dot_general3A_299 {dimension_numbers = #tpu.dot_dimension_numbers<[1], [0], [0], [1], [0, 0, 1, 1], [], []>, precision = #tpu.contract_precision<fp32>, transpose_lhs_hint = false} : vector<1x128xf32>, vector<128x2048xf32>, vector<1x2048xf32> -> vector<1x2048xf32>
    %gt3A_301 = arith.constant 5.000000e-01 : f32
    %gt3A_302 = vector.broadcast %gt3A_301 : f32 to vector<1x2048xf32>
    %gt3A_303 = arith.cmpf ogt, %dot_general3A_300, %gt3A_302 : vector<1x2048xf32>
    %ge3A_304 = arith.constant 896 : i32
    %ge3A_305 = vector.broadcast %ge3A_304 : i32 to vector<1x2048xi32>
    %ge3A_306 = arith.cmpi sge, %iota3A, %ge3A_305 : vector<1x2048xi32>
    %and3A_307 = arith.andi %gt3A_303, %ge3A_306 : vector<1x2048xi1>
    %convert_element_type3A_308 = arith.extui %and3A_307 : vector<1x2048xi1> to vector<1x2048xi32>
    %convert_element_type3A_309 = arith.sitofp %convert_element_type3A_308 : vector<1x2048xi32> to vector<1x2048xf32>
    %get3A_310 = arith.constant 0 : index
    %get3A_311 = arith.constant 0 : index
    %get3A_312 = vector.load %arg6[%get3A_310, %get3A_311] : memref<1x2048xf32, #tpu.memory_space<vmem>>, vector<1x2048xf32>
    %sub3A_313 = arith.constant 1.000000e+00 : f32
    %sub3A_314 = vector.broadcast %sub3A_313 : f32 to vector<1x2048xf32>
    %sub3A_315 = arith.subf %sub3A_314, %convert_element_type3A_309 : vector<1x2048xf32>
    %mul3A_316 = arith.mulf %get3A_312, %sub3A_315 : vector<1x2048xf32>
    %swap3A_317 = arith.constant 0 : index
    %swap3A_318 = arith.constant 0 : index
    %swap3A_319 = vector.load %arg6[%swap3A_317, %swap3A_318] : memref<1x2048xf32, #tpu.memory_space<vmem>>, vector<1x2048xf32>
    tpu.vector_store %arg6[%swap3A_317, %swap3A_318], %mul3A_316 {strides = array<i32>} : memref<1x2048xf32, #tpu.memory_space<vmem>>, vector<1x2048xf32>,
    %get3A_320 = arith.constant 896 : index
    %get3A_321 = arith.constant 896 : index
    %get3A_322 = vector.load %arg5[%get3A_320, %get3A_321] : memref<2048x2048xf32, #tpu.memory_space<vmem>>, vector<128x128xf32>
    %mul3A_323 = arith.mulf %get3A_322, %convert_element_type3A_22 : vector<128x128xf32>
    %swap3A_324 = arith.constant 0 : index
    %swap3A_325 = arith.constant 0 : index
    %swap3A_326 = vector.load %arg10[%swap3A_324, %swap3A_325] : memref<128x128xf32, #tpu.memory_space<vmem>>, vector<128x128xf32>
    tpu.vector_store %arg10[%swap3A_324, %swap3A_325], %mul3A_323 {strides = array<i32>} : memref<128x128xf32, #tpu.memory_space<vmem>>, vector<128x128xf32>,
    %get3A_327 = arith.constant 0 : index
    %get3A_328 = arith.constant 896 : index
    %get3A_329 = vector.load %arg6[%get3A_327, %get3A_328] : memref<1x2048xf32, #tpu.memory_space<vmem>>, vector<1x128xf32>
    %scan3A_330 = arith.constant 0 : i32
    %scan3A_331 = arith.constant 128 : i32
    %scan3A_332 = arith.addi %scan3A_330, %scan3A_331 : i32
    %scan3A_333 = arith.constant 1 : i32
    %scan3A_334 = scf.for %scan3A_735 = %scan3A_330 to %scan3A_332 step %scan3A_333 iter_args(%scan3A_736 = %get3A_329) -> (vector<1x128xf32>)  : i32 {
      %get3A_737 = arith.index_cast %scan3A_735 : i32 to index
      %get3A_738 = arith.constant 0 : index
      %get3A_739 = vector.load %arg10[%get3A_737, %get3A_738] : memref<128x128xf32, #tpu.memory_space<vmem>>, vector<1x128xf32>
      %eq3A = vector.broadcast %scan3A_735 : i32 to vector<1x128xi32>
      %eq3A_740 = arith.cmpi eq, %iota3A_19, %eq3A : vector<1x128xi32>
      %jit3A_741 = arith.constant 0.000000e+00 : f32
      %broadcast_in_dim3A_742 = vector.broadcast %jit3A_741 : f32 to vector<1x128xf32>
      %select_n3A_743 = arith.select %eq3A_740, %scan3A_736, %broadcast_in_dim3A_742 : vector<1x128xi1>, vector<1x128xf32>
      %reduce_sum3A = vector.shape_cast %select_n3A_743 : vector<1x128xf32> to vector<1x1x128xf32>
      %reduce_sum3A_744 = arith.constant dense<0.000000e+00> : vector<1xf32>
      %reduce_sum3A_745 = vector.multi_reduction <add>, %reduce_sum3A, %reduce_sum3A_744 [1, 2] : vector<1x1x128xf32> to vector<1xf32>
      %reduce_sum3A_746 = vector.shape_cast %reduce_sum3A_745 : vector<1xf32> to vector<1x1x1xf32>
      %reduce_sum3A_747 = vector.extract %reduce_sum3A_746[0, 0, 0] : f32 from vector<1x1x1xf32>
      %mul3A_748 = vector.broadcast %reduce_sum3A_747 : f32 to vector<1x128xf32>
      %mul3A_749 = arith.mulf %get3A_739, %mul3A_748 : vector<1x128xf32>
      %sub3A_750 = arith.constant 1.000000e+00 : f32
      %sub3A_751 = vector.broadcast %sub3A_750 : f32 to vector<1x128xf32>
      %sub3A_752 = arith.subf %sub3A_751, %mul3A_749 : vector<1x128xf32>
      %mul3A_753 = arith.mulf %scan3A_736, %sub3A_752 : vector<1x128xf32>
      scf.yield %mul3A_753 : vector<1x128xf32>
    }
    %scan3A_335 = arith.constant 128 : i32
    %swap3A_336 = arith.constant 0 : index
    %swap3A_337 = arith.constant 896 : index
    %swap3A_338 = vector.load %arg6[%swap3A_336, %swap3A_337] : memref<1x2048xf32, #tpu.memory_space<vmem>>, vector<1x128xf32>
    tpu.vector_store %arg6[%swap3A_336, %swap3A_337], %scan3A_334 {strides = array<i32>} : memref<1x2048xf32, #tpu.memory_space<vmem>>, vector<1x128xf32>,
    %get3A_339 = arith.constant 896 : index
    %get3A_340 = arith.constant 0 : index
    %get3A_341 = vector.load %arg5[%get3A_339, %get3A_340] : memref<2048x2048xf32, #tpu.memory_space<vmem>>, vector<128x2048xf32>
    %dot_general3A_342 = arith.constant dense<0.000000e+00> : vector<1x2048xf32>
    %dot_general3A_343 = tpu.matmul %scan3A_334, %get3A_341, %dot_general3A_342 {dimension_numbers = #tpu.dot_dimension_numbers<[1], [0], [0], [1], [0, 0, 1, 1], [], []>, precision = #tpu.contract_precision<fp32>, transpose_lhs_hint = false} : vector<1x128xf32>, vector<128x2048xf32>, vector<1x2048xf32> -> vector<1x2048xf32>
    %gt3A_344 = arith.constant 5.000000e-01 : f32
    %gt3A_345 = vector.broadcast %gt3A_344 : f32 to vector<1x2048xf32>
    %gt3A_346 = arith.cmpf ogt, %dot_general3A_343, %gt3A_345 : vector<1x2048xf32>
    %ge3A_347 = arith.constant 1024 : i32
    %ge3A_348 = vector.broadcast %ge3A_347 : i32 to vector<1x2048xi32>
    %ge3A_349 = arith.cmpi sge, %iota3A, %ge3A_348 : vector<1x2048xi32>
    %and3A_350 = arith.andi %gt3A_346, %ge3A_349 : vector<1x2048xi1>
    %convert_element_type3A_351 = arith.extui %and3A_350 : vector<1x2048xi1> to vector<1x2048xi32>
    %convert_element_type3A_352 = arith.sitofp %convert_element_type3A_351 : vector<1x2048xi32> to vector<1x2048xf32>
    %get3A_353 = arith.constant 0 : index
    %get3A_354 = arith.constant 0 : index
    %get3A_355 = vector.load %arg6[%get3A_353, %get3A_354] : memref<1x2048xf32, #tpu.memory_space<vmem>>, vector<1x2048xf32>
    %sub3A_356 = arith.constant 1.000000e+00 : f32
    %sub3A_357 = vector.broadcast %sub3A_356 : f32 to vector<1x2048xf32>
    %sub3A_358 = arith.subf %sub3A_357, %convert_element_type3A_352 : vector<1x2048xf32>
    %mul3A_359 = arith.mulf %get3A_355, %sub3A_358 : vector<1x2048xf32>
    %swap3A_360 = arith.constant 0 : index
    %swap3A_361 = arith.constant 0 : index
    %swap3A_362 = vector.load %arg6[%swap3A_360, %swap3A_361] : memref<1x2048xf32, #tpu.memory_space<vmem>>, vector<1x2048xf32>
    tpu.vector_store %arg6[%swap3A_360, %swap3A_361], %mul3A_359 {strides = array<i32>} : memref<1x2048xf32, #tpu.memory_space<vmem>>, vector<1x2048xf32>,
    %get3A_363 = arith.constant 1024 : index
    %get3A_364 = arith.constant 1024 : index
    %get3A_365 = vector.load %arg5[%get3A_363, %get3A_364] : memref<2048x2048xf32, #tpu.memory_space<vmem>>, vector<128x128xf32>
    %mul3A_366 = arith.mulf %get3A_365, %convert_element_type3A_22 : vector<128x128xf32>
    %swap3A_367 = arith.constant 0 : index
    %swap3A_368 = arith.constant 0 : index
    %swap3A_369 = vector.load %arg10[%swap3A_367, %swap3A_368] : memref<128x128xf32, #tpu.memory_space<vmem>>, vector<128x128xf32>
    tpu.vector_store %arg10[%swap3A_367, %swap3A_368], %mul3A_366 {strides = array<i32>} : memref<128x128xf32, #tpu.memory_space<vmem>>, vector<128x128xf32>,
    %get3A_370 = arith.constant 0 : index
    %get3A_371 = arith.constant 1024 : index
    %get3A_372 = vector.load %arg6[%get3A_370, %get3A_371] : memref<1x2048xf32, #tpu.memory_space<vmem>>, vector<1x128xf32>
    %scan3A_373 = arith.constant 0 : i32
    %scan3A_374 = arith.constant 128 : i32
    %scan3A_375 = arith.addi %scan3A_373, %scan3A_374 : i32
    %scan3A_376 = arith.constant 1 : i32
    %scan3A_377 = scf.for %scan3A_735 = %scan3A_373 to %scan3A_375 step %scan3A_376 iter_args(%scan3A_736 = %get3A_372) -> (vector<1x128xf32>)  : i32 {
      %get3A_737 = arith.index_cast %scan3A_735 : i32 to index
      %get3A_738 = arith.constant 0 : index
      %get3A_739 = vector.load %arg10[%get3A_737, %get3A_738] : memref<128x128xf32, #tpu.memory_space<vmem>>, vector<1x128xf32>
      %eq3A = vector.broadcast %scan3A_735 : i32 to vector<1x128xi32>
      %eq3A_740 = arith.cmpi eq, %iota3A_19, %eq3A : vector<1x128xi32>
      %jit3A_741 = arith.constant 0.000000e+00 : f32
      %broadcast_in_dim3A_742 = vector.broadcast %jit3A_741 : f32 to vector<1x128xf32>
      %select_n3A_743 = arith.select %eq3A_740, %scan3A_736, %broadcast_in_dim3A_742 : vector<1x128xi1>, vector<1x128xf32>
      %reduce_sum3A = vector.shape_cast %select_n3A_743 : vector<1x128xf32> to vector<1x1x128xf32>
      %reduce_sum3A_744 = arith.constant dense<0.000000e+00> : vector<1xf32>
      %reduce_sum3A_745 = vector.multi_reduction <add>, %reduce_sum3A, %reduce_sum3A_744 [1, 2] : vector<1x1x128xf32> to vector<1xf32>
      %reduce_sum3A_746 = vector.shape_cast %reduce_sum3A_745 : vector<1xf32> to vector<1x1x1xf32>
      %reduce_sum3A_747 = vector.extract %reduce_sum3A_746[0, 0, 0] : f32 from vector<1x1x1xf32>
      %mul3A_748 = vector.broadcast %reduce_sum3A_747 : f32 to vector<1x128xf32>
      %mul3A_749 = arith.mulf %get3A_739, %mul3A_748 : vector<1x128xf32>
      %sub3A_750 = arith.constant 1.000000e+00 : f32
      %sub3A_751 = vector.broadcast %sub3A_750 : f32 to vector<1x128xf32>
      %sub3A_752 = arith.subf %sub3A_751, %mul3A_749 : vector<1x128xf32>
      %mul3A_753 = arith.mulf %scan3A_736, %sub3A_752 : vector<1x128xf32>
      scf.yield %mul3A_753 : vector<1x128xf32>
    }
    %scan3A_378 = arith.constant 128 : i32
    %swap3A_379 = arith.constant 0 : index
    %swap3A_380 = arith.constant 1024 : index
    %swap3A_381 = vector.load %arg6[%swap3A_379, %swap3A_380] : memref<1x2048xf32, #tpu.memory_space<vmem>>, vector<1x128xf32>
    tpu.vector_store %arg6[%swap3A_379, %swap3A_380], %scan3A_377 {strides = array<i32>} : memref<1x2048xf32, #tpu.memory_space<vmem>>, vector<1x128xf32>,
    %get3A_382 = arith.constant 1024 : index
    %get3A_383 = arith.constant 0 : index
    %get3A_384 = vector.load %arg5[%get3A_382, %get3A_383] : memref<2048x2048xf32, #tpu.memory_space<vmem>>, vector<128x2048xf32>
    %dot_general3A_385 = arith.constant dense<0.000000e+00> : vector<1x2048xf32>
    %dot_general3A_386 = tpu.matmul %scan3A_377, %get3A_384, %dot_general3A_385 {dimension_numbers = #tpu.dot_dimension_numbers<[1], [0], [0], [1], [0, 0, 1, 1], [], []>, precision = #tpu.contract_precision<fp32>, transpose_lhs_hint = false} : vector<1x128xf32>, vector<128x2048xf32>, vector<1x2048xf32> -> vector<1x2048xf32>
    %gt3A_387 = arith.constant 5.000000e-01 : f32
    %gt3A_388 = vector.broadcast %gt3A_387 : f32 to vector<1x2048xf32>
    %gt3A_389 = arith.cmpf ogt, %dot_general3A_386, %gt3A_388 : vector<1x2048xf32>
    %ge3A_390 = arith.constant 1152 : i32
    %ge3A_391 = vector.broadcast %ge3A_390 : i32 to vector<1x2048xi32>
    %ge3A_392 = arith.cmpi sge, %iota3A, %ge3A_391 : vector<1x2048xi32>
    %and3A_393 = arith.andi %gt3A_389, %ge3A_392 : vector<1x2048xi1>
    %convert_element_type3A_394 = arith.extui %and3A_393 : vector<1x2048xi1> to vector<1x2048xi32>
    %convert_element_type3A_395 = arith.sitofp %convert_element_type3A_394 : vector<1x2048xi32> to vector<1x2048xf32>
    %get3A_396 = arith.constant 0 : index
    %get3A_397 = arith.constant 0 : index
    %get3A_398 = vector.load %arg6[%get3A_396, %get3A_397] : memref<1x2048xf32, #tpu.memory_space<vmem>>, vector<1x2048xf32>
    %sub3A_399 = arith.constant 1.000000e+00 : f32
    %sub3A_400 = vector.broadcast %sub3A_399 : f32 to vector<1x2048xf32>
    %sub3A_401 = arith.subf %sub3A_400, %convert_element_type3A_395 : vector<1x2048xf32>
    %mul3A_402 = arith.mulf %get3A_398, %sub3A_401 : vector<1x2048xf32>
    %swap3A_403 = arith.constant 0 : index
    %swap3A_404 = arith.constant 0 : index
    %swap3A_405 = vector.load %arg6[%swap3A_403, %swap3A_404] : memref<1x2048xf32, #tpu.memory_space<vmem>>, vector<1x2048xf32>
    tpu.vector_store %arg6[%swap3A_403, %swap3A_404], %mul3A_402 {strides = array<i32>} : memref<1x2048xf32, #tpu.memory_space<vmem>>, vector<1x2048xf32>,
    %get3A_406 = arith.constant 1152 : index
    %get3A_407 = arith.constant 1152 : index
    %get3A_408 = vector.load %arg5[%get3A_406, %get3A_407] : memref<2048x2048xf32, #tpu.memory_space<vmem>>, vector<128x128xf32>
    %mul3A_409 = arith.mulf %get3A_408, %convert_element_type3A_22 : vector<128x128xf32>
    %swap3A_410 = arith.constant 0 : index
    %swap3A_411 = arith.constant 0 : index
    %swap3A_412 = vector.load %arg10[%swap3A_410, %swap3A_411] : memref<128x128xf32, #tpu.memory_space<vmem>>, vector<128x128xf32>
    tpu.vector_store %arg10[%swap3A_410, %swap3A_411], %mul3A_409 {strides = array<i32>} : memref<128x128xf32, #tpu.memory_space<vmem>>, vector<128x128xf32>,
    %get3A_413 = arith.constant 0 : index
    %get3A_414 = arith.constant 1152 : index
    %get3A_415 = vector.load %arg6[%get3A_413, %get3A_414] : memref<1x2048xf32, #tpu.memory_space<vmem>>, vector<1x128xf32>
    %scan3A_416 = arith.constant 0 : i32
    %scan3A_417 = arith.constant 128 : i32
    %scan3A_418 = arith.addi %scan3A_416, %scan3A_417 : i32
    %scan3A_419 = arith.constant 1 : i32
    %scan3A_420 = scf.for %scan3A_735 = %scan3A_416 to %scan3A_418 step %scan3A_419 iter_args(%scan3A_736 = %get3A_415) -> (vector<1x128xf32>)  : i32 {
      %get3A_737 = arith.index_cast %scan3A_735 : i32 to index
      %get3A_738 = arith.constant 0 : index
      %get3A_739 = vector.load %arg10[%get3A_737, %get3A_738] : memref<128x128xf32, #tpu.memory_space<vmem>>, vector<1x128xf32>
      %eq3A = vector.broadcast %scan3A_735 : i32 to vector<1x128xi32>
      %eq3A_740 = arith.cmpi eq, %iota3A_19, %eq3A : vector<1x128xi32>
      %jit3A_741 = arith.constant 0.000000e+00 : f32
      %broadcast_in_dim3A_742 = vector.broadcast %jit3A_741 : f32 to vector<1x128xf32>
      %select_n3A_743 = arith.select %eq3A_740, %scan3A_736, %broadcast_in_dim3A_742 : vector<1x128xi1>, vector<1x128xf32>
      %reduce_sum3A = vector.shape_cast %select_n3A_743 : vector<1x128xf32> to vector<1x1x128xf32>
      %reduce_sum3A_744 = arith.constant dense<0.000000e+00> : vector<1xf32>
      %reduce_sum3A_745 = vector.multi_reduction <add>, %reduce_sum3A, %reduce_sum3A_744 [1, 2] : vector<1x1x128xf32> to vector<1xf32>
      %reduce_sum3A_746 = vector.shape_cast %reduce_sum3A_745 : vector<1xf32> to vector<1x1x1xf32>
      %reduce_sum3A_747 = vector.extract %reduce_sum3A_746[0, 0, 0] : f32 from vector<1x1x1xf32>
      %mul3A_748 = vector.broadcast %reduce_sum3A_747 : f32 to vector<1x128xf32>
      %mul3A_749 = arith.mulf %get3A_739, %mul3A_748 : vector<1x128xf32>
      %sub3A_750 = arith.constant 1.000000e+00 : f32
      %sub3A_751 = vector.broadcast %sub3A_750 : f32 to vector<1x128xf32>
      %sub3A_752 = arith.subf %sub3A_751, %mul3A_749 : vector<1x128xf32>
      %mul3A_753 = arith.mulf %scan3A_736, %sub3A_752 : vector<1x128xf32>
      scf.yield %mul3A_753 : vector<1x128xf32>
    }
    %scan3A_421 = arith.constant 128 : i32
    %swap3A_422 = arith.constant 0 : index
    %swap3A_423 = arith.constant 1152 : index
    %swap3A_424 = vector.load %arg6[%swap3A_422, %swap3A_423] : memref<1x2048xf32, #tpu.memory_space<vmem>>, vector<1x128xf32>
    tpu.vector_store %arg6[%swap3A_422, %swap3A_423], %scan3A_420 {strides = array<i32>} : memref<1x2048xf32, #tpu.memory_space<vmem>>, vector<1x128xf32>,
    %get3A_425 = arith.constant 1152 : index
    %get3A_426 = arith.constant 0 : index
    %get3A_427 = vector.load %arg5[%get3A_425, %get3A_426] : memref<2048x2048xf32, #tpu.memory_space<vmem>>, vector<128x2048xf32>
    %dot_general3A_428 = arith.constant dense<0.000000e+00> : vector<1x2048xf32>
    %dot_general3A_429 = tpu.matmul %scan3A_420, %get3A_427, %dot_general3A_428 {dimension_numbers = #tpu.dot_dimension_numbers<[1], [0], [0], [1], [0, 0, 1, 1], [], []>, precision = #tpu.contract_precision<fp32>, transpose_lhs_hint = false} : vector<1x128xf32>, vector<128x2048xf32>, vector<1x2048xf32> -> vector<1x2048xf32>
    %gt3A_430 = arith.constant 5.000000e-01 : f32
    %gt3A_431 = vector.broadcast %gt3A_430 : f32 to vector<1x2048xf32>
    %gt3A_432 = arith.cmpf ogt, %dot_general3A_429, %gt3A_431 : vector<1x2048xf32>
    %ge3A_433 = arith.constant 1280 : i32
    %ge3A_434 = vector.broadcast %ge3A_433 : i32 to vector<1x2048xi32>
    %ge3A_435 = arith.cmpi sge, %iota3A, %ge3A_434 : vector<1x2048xi32>
    %and3A_436 = arith.andi %gt3A_432, %ge3A_435 : vector<1x2048xi1>
    %convert_element_type3A_437 = arith.extui %and3A_436 : vector<1x2048xi1> to vector<1x2048xi32>
    %convert_element_type3A_438 = arith.sitofp %convert_element_type3A_437 : vector<1x2048xi32> to vector<1x2048xf32>
    %get3A_439 = arith.constant 0 : index
    %get3A_440 = arith.constant 0 : index
    %get3A_441 = vector.load %arg6[%get3A_439, %get3A_440] : memref<1x2048xf32, #tpu.memory_space<vmem>>, vector<1x2048xf32>
    %sub3A_442 = arith.constant 1.000000e+00 : f32
    %sub3A_443 = vector.broadcast %sub3A_442 : f32 to vector<1x2048xf32>
    %sub3A_444 = arith.subf %sub3A_443, %convert_element_type3A_438 : vector<1x2048xf32>
    %mul3A_445 = arith.mulf %get3A_441, %sub3A_444 : vector<1x2048xf32>
    %swap3A_446 = arith.constant 0 : index
    %swap3A_447 = arith.constant 0 : index
    %swap3A_448 = vector.load %arg6[%swap3A_446, %swap3A_447] : memref<1x2048xf32, #tpu.memory_space<vmem>>, vector<1x2048xf32>
    tpu.vector_store %arg6[%swap3A_446, %swap3A_447], %mul3A_445 {strides = array<i32>} : memref<1x2048xf32, #tpu.memory_space<vmem>>, vector<1x2048xf32>,
    %get3A_449 = arith.constant 1280 : index
    %get3A_450 = arith.constant 1280 : index
    %get3A_451 = vector.load %arg5[%get3A_449, %get3A_450] : memref<2048x2048xf32, #tpu.memory_space<vmem>>, vector<128x128xf32>
    %mul3A_452 = arith.mulf %get3A_451, %convert_element_type3A_22 : vector<128x128xf32>
    %swap3A_453 = arith.constant 0 : index
    %swap3A_454 = arith.constant 0 : index
    %swap3A_455 = vector.load %arg10[%swap3A_453, %swap3A_454] : memref<128x128xf32, #tpu.memory_space<vmem>>, vector<128x128xf32>
    tpu.vector_store %arg10[%swap3A_453, %swap3A_454], %mul3A_452 {strides = array<i32>} : memref<128x128xf32, #tpu.memory_space<vmem>>, vector<128x128xf32>,
    %get3A_456 = arith.constant 0 : index
    %get3A_457 = arith.constant 1280 : index
    %get3A_458 = vector.load %arg6[%get3A_456, %get3A_457] : memref<1x2048xf32, #tpu.memory_space<vmem>>, vector<1x128xf32>
    %scan3A_459 = arith.constant 0 : i32
    %scan3A_460 = arith.constant 128 : i32
    %scan3A_461 = arith.addi %scan3A_459, %scan3A_460 : i32
    %scan3A_462 = arith.constant 1 : i32
    %scan3A_463 = scf.for %scan3A_735 = %scan3A_459 to %scan3A_461 step %scan3A_462 iter_args(%scan3A_736 = %get3A_458) -> (vector<1x128xf32>)  : i32 {
      %get3A_737 = arith.index_cast %scan3A_735 : i32 to index
      %get3A_738 = arith.constant 0 : index
      %get3A_739 = vector.load %arg10[%get3A_737, %get3A_738] : memref<128x128xf32, #tpu.memory_space<vmem>>, vector<1x128xf32>
      %eq3A = vector.broadcast %scan3A_735 : i32 to vector<1x128xi32>
      %eq3A_740 = arith.cmpi eq, %iota3A_19, %eq3A : vector<1x128xi32>
      %jit3A_741 = arith.constant 0.000000e+00 : f32
      %broadcast_in_dim3A_742 = vector.broadcast %jit3A_741 : f32 to vector<1x128xf32>
      %select_n3A_743 = arith.select %eq3A_740, %scan3A_736, %broadcast_in_dim3A_742 : vector<1x128xi1>, vector<1x128xf32>
      %reduce_sum3A = vector.shape_cast %select_n3A_743 : vector<1x128xf32> to vector<1x1x128xf32>
      %reduce_sum3A_744 = arith.constant dense<0.000000e+00> : vector<1xf32>
      %reduce_sum3A_745 = vector.multi_reduction <add>, %reduce_sum3A, %reduce_sum3A_744 [1, 2] : vector<1x1x128xf32> to vector<1xf32>
      %reduce_sum3A_746 = vector.shape_cast %reduce_sum3A_745 : vector<1xf32> to vector<1x1x1xf32>
      %reduce_sum3A_747 = vector.extract %reduce_sum3A_746[0, 0, 0] : f32 from vector<1x1x1xf32>
      %mul3A_748 = vector.broadcast %reduce_sum3A_747 : f32 to vector<1x128xf32>
      %mul3A_749 = arith.mulf %get3A_739, %mul3A_748 : vector<1x128xf32>
      %sub3A_750 = arith.constant 1.000000e+00 : f32
      %sub3A_751 = vector.broadcast %sub3A_750 : f32 to vector<1x128xf32>
      %sub3A_752 = arith.subf %sub3A_751, %mul3A_749 : vector<1x128xf32>
      %mul3A_753 = arith.mulf %scan3A_736, %sub3A_752 : vector<1x128xf32>
      scf.yield %mul3A_753 : vector<1x128xf32>
    }
    %scan3A_464 = arith.constant 128 : i32
    %swap3A_465 = arith.constant 0 : index
    %swap3A_466 = arith.constant 1280 : index
    %swap3A_467 = vector.load %arg6[%swap3A_465, %swap3A_466] : memref<1x2048xf32, #tpu.memory_space<vmem>>, vector<1x128xf32>
    tpu.vector_store %arg6[%swap3A_465, %swap3A_466], %scan3A_463 {strides = array<i32>} : memref<1x2048xf32, #tpu.memory_space<vmem>>, vector<1x128xf32>,
    %get3A_468 = arith.constant 1280 : index
    %get3A_469 = arith.constant 0 : index
    %get3A_470 = vector.load %arg5[%get3A_468, %get3A_469] : memref<2048x2048xf32, #tpu.memory_space<vmem>>, vector<128x2048xf32>
    %dot_general3A_471 = arith.constant dense<0.000000e+00> : vector<1x2048xf32>
    %dot_general3A_472 = tpu.matmul %scan3A_463, %get3A_470, %dot_general3A_471 {dimension_numbers = #tpu.dot_dimension_numbers<[1], [0], [0], [1], [0, 0, 1, 1], [], []>, precision = #tpu.contract_precision<fp32>, transpose_lhs_hint = false} : vector<1x128xf32>, vector<128x2048xf32>, vector<1x2048xf32> -> vector<1x2048xf32>
    %gt3A_473 = arith.constant 5.000000e-01 : f32
    %gt3A_474 = vector.broadcast %gt3A_473 : f32 to vector<1x2048xf32>
    %gt3A_475 = arith.cmpf ogt, %dot_general3A_472, %gt3A_474 : vector<1x2048xf32>
    %ge3A_476 = arith.constant 1408 : i32
    %ge3A_477 = vector.broadcast %ge3A_476 : i32 to vector<1x2048xi32>
    %ge3A_478 = arith.cmpi sge, %iota3A, %ge3A_477 : vector<1x2048xi32>
    %and3A_479 = arith.andi %gt3A_475, %ge3A_478 : vector<1x2048xi1>
    %convert_element_type3A_480 = arith.extui %and3A_479 : vector<1x2048xi1> to vector<1x2048xi32>
    %convert_element_type3A_481 = arith.sitofp %convert_element_type3A_480 : vector<1x2048xi32> to vector<1x2048xf32>
    %get3A_482 = arith.constant 0 : index
    %get3A_483 = arith.constant 0 : index
    %get3A_484 = vector.load %arg6[%get3A_482, %get3A_483] : memref<1x2048xf32, #tpu.memory_space<vmem>>, vector<1x2048xf32>
    %sub3A_485 = arith.constant 1.000000e+00 : f32
    %sub3A_486 = vector.broadcast %sub3A_485 : f32 to vector<1x2048xf32>
    %sub3A_487 = arith.subf %sub3A_486, %convert_element_type3A_481 : vector<1x2048xf32>
    %mul3A_488 = arith.mulf %get3A_484, %sub3A_487 : vector<1x2048xf32>
    %swap3A_489 = arith.constant 0 : index
    %swap3A_490 = arith.constant 0 : index
    %swap3A_491 = vector.load %arg6[%swap3A_489, %swap3A_490] : memref<1x2048xf32, #tpu.memory_space<vmem>>, vector<1x2048xf32>
    tpu.vector_store %arg6[%swap3A_489, %swap3A_490], %mul3A_488 {strides = array<i32>} : memref<1x2048xf32, #tpu.memory_space<vmem>>, vector<1x2048xf32>,
    %get3A_492 = arith.constant 1408 : index
    %get3A_493 = arith.constant 1408 : index
    %get3A_494 = vector.load %arg5[%get3A_492, %get3A_493] : memref<2048x2048xf32, #tpu.memory_space<vmem>>, vector<128x128xf32>
    %mul3A_495 = arith.mulf %get3A_494, %convert_element_type3A_22 : vector<128x128xf32>
    %swap3A_496 = arith.constant 0 : index
    %swap3A_497 = arith.constant 0 : index
    %swap3A_498 = vector.load %arg10[%swap3A_496, %swap3A_497] : memref<128x128xf32, #tpu.memory_space<vmem>>, vector<128x128xf32>
    tpu.vector_store %arg10[%swap3A_496, %swap3A_497], %mul3A_495 {strides = array<i32>} : memref<128x128xf32, #tpu.memory_space<vmem>>, vector<128x128xf32>,
    %get3A_499 = arith.constant 0 : index
    %get3A_500 = arith.constant 1408 : index
    %get3A_501 = vector.load %arg6[%get3A_499, %get3A_500] : memref<1x2048xf32, #tpu.memory_space<vmem>>, vector<1x128xf32>
    %scan3A_502 = arith.constant 0 : i32
    %scan3A_503 = arith.constant 128 : i32
    %scan3A_504 = arith.addi %scan3A_502, %scan3A_503 : i32
    %scan3A_505 = arith.constant 1 : i32
    %scan3A_506 = scf.for %scan3A_735 = %scan3A_502 to %scan3A_504 step %scan3A_505 iter_args(%scan3A_736 = %get3A_501) -> (vector<1x128xf32>)  : i32 {
      %get3A_737 = arith.index_cast %scan3A_735 : i32 to index
      %get3A_738 = arith.constant 0 : index
      %get3A_739 = vector.load %arg10[%get3A_737, %get3A_738] : memref<128x128xf32, #tpu.memory_space<vmem>>, vector<1x128xf32>
      %eq3A = vector.broadcast %scan3A_735 : i32 to vector<1x128xi32>
      %eq3A_740 = arith.cmpi eq, %iota3A_19, %eq3A : vector<1x128xi32>
      %jit3A_741 = arith.constant 0.000000e+00 : f32
      %broadcast_in_dim3A_742 = vector.broadcast %jit3A_741 : f32 to vector<1x128xf32>
      %select_n3A_743 = arith.select %eq3A_740, %scan3A_736, %broadcast_in_dim3A_742 : vector<1x128xi1>, vector<1x128xf32>
      %reduce_sum3A = vector.shape_cast %select_n3A_743 : vector<1x128xf32> to vector<1x1x128xf32>
      %reduce_sum3A_744 = arith.constant dense<0.000000e+00> : vector<1xf32>
      %reduce_sum3A_745 = vector.multi_reduction <add>, %reduce_sum3A, %reduce_sum3A_744 [1, 2] : vector<1x1x128xf32> to vector<1xf32>
      %reduce_sum3A_746 = vector.shape_cast %reduce_sum3A_745 : vector<1xf32> to vector<1x1x1xf32>
      %reduce_sum3A_747 = vector.extract %reduce_sum3A_746[0, 0, 0] : f32 from vector<1x1x1xf32>
      %mul3A_748 = vector.broadcast %reduce_sum3A_747 : f32 to vector<1x128xf32>
      %mul3A_749 = arith.mulf %get3A_739, %mul3A_748 : vector<1x128xf32>
      %sub3A_750 = arith.constant 1.000000e+00 : f32
      %sub3A_751 = vector.broadcast %sub3A_750 : f32 to vector<1x128xf32>
      %sub3A_752 = arith.subf %sub3A_751, %mul3A_749 : vector<1x128xf32>
      %mul3A_753 = arith.mulf %scan3A_736, %sub3A_752 : vector<1x128xf32>
      scf.yield %mul3A_753 : vector<1x128xf32>
    }
    %scan3A_507 = arith.constant 128 : i32
    %swap3A_508 = arith.constant 0 : index
    %swap3A_509 = arith.constant 1408 : index
    %swap3A_510 = vector.load %arg6[%swap3A_508, %swap3A_509] : memref<1x2048xf32, #tpu.memory_space<vmem>>, vector<1x128xf32>
    tpu.vector_store %arg6[%swap3A_508, %swap3A_509], %scan3A_506 {strides = array<i32>} : memref<1x2048xf32, #tpu.memory_space<vmem>>, vector<1x128xf32>,
    %get3A_511 = arith.constant 1408 : index
    %get3A_512 = arith.constant 0 : index
    %get3A_513 = vector.load %arg5[%get3A_511, %get3A_512] : memref<2048x2048xf32, #tpu.memory_space<vmem>>, vector<128x2048xf32>
    %dot_general3A_514 = arith.constant dense<0.000000e+00> : vector<1x2048xf32>
    %dot_general3A_515 = tpu.matmul %scan3A_506, %get3A_513, %dot_general3A_514 {dimension_numbers = #tpu.dot_dimension_numbers<[1], [0], [0], [1], [0, 0, 1, 1], [], []>, precision = #tpu.contract_precision<fp32>, transpose_lhs_hint = false} : vector<1x128xf32>, vector<128x2048xf32>, vector<1x2048xf32> -> vector<1x2048xf32>
    %gt3A_516 = arith.constant 5.000000e-01 : f32
    %gt3A_517 = vector.broadcast %gt3A_516 : f32 to vector<1x2048xf32>
    %gt3A_518 = arith.cmpf ogt, %dot_general3A_515, %gt3A_517 : vector<1x2048xf32>
    %ge3A_519 = arith.constant 1536 : i32
    %ge3A_520 = vector.broadcast %ge3A_519 : i32 to vector<1x2048xi32>
    %ge3A_521 = arith.cmpi sge, %iota3A, %ge3A_520 : vector<1x2048xi32>
    %and3A_522 = arith.andi %gt3A_518, %ge3A_521 : vector<1x2048xi1>
    %convert_element_type3A_523 = arith.extui %and3A_522 : vector<1x2048xi1> to vector<1x2048xi32>
    %convert_element_type3A_524 = arith.sitofp %convert_element_type3A_523 : vector<1x2048xi32> to vector<1x2048xf32>
    %get3A_525 = arith.constant 0 : index
    %get3A_526 = arith.constant 0 : index
    %get3A_527 = vector.load %arg6[%get3A_525, %get3A_526] : memref<1x2048xf32, #tpu.memory_space<vmem>>, vector<1x2048xf32>
    %sub3A_528 = arith.constant 1.000000e+00 : f32
    %sub3A_529 = vector.broadcast %sub3A_528 : f32 to vector<1x2048xf32>
    %sub3A_530 = arith.subf %sub3A_529, %convert_element_type3A_524 : vector<1x2048xf32>
    %mul3A_531 = arith.mulf %get3A_527, %sub3A_530 : vector<1x2048xf32>
    %swap3A_532 = arith.constant 0 : index
    %swap3A_533 = arith.constant 0 : index
    %swap3A_534 = vector.load %arg6[%swap3A_532, %swap3A_533] : memref<1x2048xf32, #tpu.memory_space<vmem>>, vector<1x2048xf32>
    tpu.vector_store %arg6[%swap3A_532, %swap3A_533], %mul3A_531 {strides = array<i32>} : memref<1x2048xf32, #tpu.memory_space<vmem>>, vector<1x2048xf32>,
    %get3A_535 = arith.constant 1536 : index
    %get3A_536 = arith.constant 1536 : index
    %get3A_537 = vector.load %arg5[%get3A_535, %get3A_536] : memref<2048x2048xf32, #tpu.memory_space<vmem>>, vector<128x128xf32>
    %mul3A_538 = arith.mulf %get3A_537, %convert_element_type3A_22 : vector<128x128xf32>
    %swap3A_539 = arith.constant 0 : index
    %swap3A_540 = arith.constant 0 : index
    %swap3A_541 = vector.load %arg10[%swap3A_539, %swap3A_540] : memref<128x128xf32, #tpu.memory_space<vmem>>, vector<128x128xf32>
    tpu.vector_store %arg10[%swap3A_539, %swap3A_540], %mul3A_538 {strides = array<i32>} : memref<128x128xf32, #tpu.memory_space<vmem>>, vector<128x128xf32>,
    %get3A_542 = arith.constant 0 : index
    %get3A_543 = arith.constant 1536 : index
    %get3A_544 = vector.load %arg6[%get3A_542, %get3A_543] : memref<1x2048xf32, #tpu.memory_space<vmem>>, vector<1x128xf32>
    %scan3A_545 = arith.constant 0 : i32
    %scan3A_546 = arith.constant 128 : i32
    %scan3A_547 = arith.addi %scan3A_545, %scan3A_546 : i32
    %scan3A_548 = arith.constant 1 : i32
    %scan3A_549 = scf.for %scan3A_735 = %scan3A_545 to %scan3A_547 step %scan3A_548 iter_args(%scan3A_736 = %get3A_544) -> (vector<1x128xf32>)  : i32 {
      %get3A_737 = arith.index_cast %scan3A_735 : i32 to index
      %get3A_738 = arith.constant 0 : index
      %get3A_739 = vector.load %arg10[%get3A_737, %get3A_738] : memref<128x128xf32, #tpu.memory_space<vmem>>, vector<1x128xf32>
      %eq3A = vector.broadcast %scan3A_735 : i32 to vector<1x128xi32>
      %eq3A_740 = arith.cmpi eq, %iota3A_19, %eq3A : vector<1x128xi32>
      %jit3A_741 = arith.constant 0.000000e+00 : f32
      %broadcast_in_dim3A_742 = vector.broadcast %jit3A_741 : f32 to vector<1x128xf32>
      %select_n3A_743 = arith.select %eq3A_740, %scan3A_736, %broadcast_in_dim3A_742 : vector<1x128xi1>, vector<1x128xf32>
      %reduce_sum3A = vector.shape_cast %select_n3A_743 : vector<1x128xf32> to vector<1x1x128xf32>
      %reduce_sum3A_744 = arith.constant dense<0.000000e+00> : vector<1xf32>
      %reduce_sum3A_745 = vector.multi_reduction <add>, %reduce_sum3A, %reduce_sum3A_744 [1, 2] : vector<1x1x128xf32> to vector<1xf32>
      %reduce_sum3A_746 = vector.shape_cast %reduce_sum3A_745 : vector<1xf32> to vector<1x1x1xf32>
      %reduce_sum3A_747 = vector.extract %reduce_sum3A_746[0, 0, 0] : f32 from vector<1x1x1xf32>
      %mul3A_748 = vector.broadcast %reduce_sum3A_747 : f32 to vector<1x128xf32>
      %mul3A_749 = arith.mulf %get3A_739, %mul3A_748 : vector<1x128xf32>
      %sub3A_750 = arith.constant 1.000000e+00 : f32
      %sub3A_751 = vector.broadcast %sub3A_750 : f32 to vector<1x128xf32>
      %sub3A_752 = arith.subf %sub3A_751, %mul3A_749 : vector<1x128xf32>
      %mul3A_753 = arith.mulf %scan3A_736, %sub3A_752 : vector<1x128xf32>
      scf.yield %mul3A_753 : vector<1x128xf32>
    }
    %scan3A_550 = arith.constant 128 : i32
    %swap3A_551 = arith.constant 0 : index
    %swap3A_552 = arith.constant 1536 : index
    %swap3A_553 = vector.load %arg6[%swap3A_551, %swap3A_552] : memref<1x2048xf32, #tpu.memory_space<vmem>>, vector<1x128xf32>
    tpu.vector_store %arg6[%swap3A_551, %swap3A_552], %scan3A_549 {strides = array<i32>} : memref<1x2048xf32, #tpu.memory_space<vmem>>, vector<1x128xf32>,
    %get3A_554 = arith.constant 1536 : index
    %get3A_555 = arith.constant 0 : index
    %get3A_556 = vector.load %arg5[%get3A_554, %get3A_555] : memref<2048x2048xf32, #tpu.memory_space<vmem>>, vector<128x2048xf32>
    %dot_general3A_557 = arith.constant dense<0.000000e+00> : vector<1x2048xf32>
    %dot_general3A_558 = tpu.matmul %scan3A_549, %get3A_556, %dot_general3A_557 {dimension_numbers = #tpu.dot_dimension_numbers<[1], [0], [0], [1], [0, 0, 1, 1], [], []>, precision = #tpu.contract_precision<fp32>, transpose_lhs_hint = false} : vector<1x128xf32>, vector<128x2048xf32>, vector<1x2048xf32> -> vector<1x2048xf32>
    %gt3A_559 = arith.constant 5.000000e-01 : f32
    %gt3A_560 = vector.broadcast %gt3A_559 : f32 to vector<1x2048xf32>
    %gt3A_561 = arith.cmpf ogt, %dot_general3A_558, %gt3A_560 : vector<1x2048xf32>
    %ge3A_562 = arith.constant 1664 : i32
    %ge3A_563 = vector.broadcast %ge3A_562 : i32 to vector<1x2048xi32>
    %ge3A_564 = arith.cmpi sge, %iota3A, %ge3A_563 : vector<1x2048xi32>
    %and3A_565 = arith.andi %gt3A_561, %ge3A_564 : vector<1x2048xi1>
    %convert_element_type3A_566 = arith.extui %and3A_565 : vector<1x2048xi1> to vector<1x2048xi32>
    %convert_element_type3A_567 = arith.sitofp %convert_element_type3A_566 : vector<1x2048xi32> to vector<1x2048xf32>
    %get3A_568 = arith.constant 0 : index
    %get3A_569 = arith.constant 0 : index
    %get3A_570 = vector.load %arg6[%get3A_568, %get3A_569] : memref<1x2048xf32, #tpu.memory_space<vmem>>, vector<1x2048xf32>
    %sub3A_571 = arith.constant 1.000000e+00 : f32
    %sub3A_572 = vector.broadcast %sub3A_571 : f32 to vector<1x2048xf32>
    %sub3A_573 = arith.subf %sub3A_572, %convert_element_type3A_567 : vector<1x2048xf32>
    %mul3A_574 = arith.mulf %get3A_570, %sub3A_573 : vector<1x2048xf32>
    %swap3A_575 = arith.constant 0 : index
    %swap3A_576 = arith.constant 0 : index
    %swap3A_577 = vector.load %arg6[%swap3A_575, %swap3A_576] : memref<1x2048xf32, #tpu.memory_space<vmem>>, vector<1x2048xf32>
    tpu.vector_store %arg6[%swap3A_575, %swap3A_576], %mul3A_574 {strides = array<i32>} : memref<1x2048xf32, #tpu.memory_space<vmem>>, vector<1x2048xf32>,
    %get3A_578 = arith.constant 1664 : index
    %get3A_579 = arith.constant 1664 : index
    %get3A_580 = vector.load %arg5[%get3A_578, %get3A_579] : memref<2048x2048xf32, #tpu.memory_space<vmem>>, vector<128x128xf32>
    %mul3A_581 = arith.mulf %get3A_580, %convert_element_type3A_22 : vector<128x128xf32>
    %swap3A_582 = arith.constant 0 : index
    %swap3A_583 = arith.constant 0 : index
    %swap3A_584 = vector.load %arg10[%swap3A_582, %swap3A_583] : memref<128x128xf32, #tpu.memory_space<vmem>>, vector<128x128xf32>
    tpu.vector_store %arg10[%swap3A_582, %swap3A_583], %mul3A_581 {strides = array<i32>} : memref<128x128xf32, #tpu.memory_space<vmem>>, vector<128x128xf32>,
    %get3A_585 = arith.constant 0 : index
    %get3A_586 = arith.constant 1664 : index
    %get3A_587 = vector.load %arg6[%get3A_585, %get3A_586] : memref<1x2048xf32, #tpu.memory_space<vmem>>, vector<1x128xf32>
    %scan3A_588 = arith.constant 0 : i32
    %scan3A_589 = arith.constant 128 : i32
    %scan3A_590 = arith.addi %scan3A_588, %scan3A_589 : i32
    %scan3A_591 = arith.constant 1 : i32
    %scan3A_592 = scf.for %scan3A_735 = %scan3A_588 to %scan3A_590 step %scan3A_591 iter_args(%scan3A_736 = %get3A_587) -> (vector<1x128xf32>)  : i32 {
      %get3A_737 = arith.index_cast %scan3A_735 : i32 to index
      %get3A_738 = arith.constant 0 : index
      %get3A_739 = vector.load %arg10[%get3A_737, %get3A_738] : memref<128x128xf32, #tpu.memory_space<vmem>>, vector<1x128xf32>
      %eq3A = vector.broadcast %scan3A_735 : i32 to vector<1x128xi32>
      %eq3A_740 = arith.cmpi eq, %iota3A_19, %eq3A : vector<1x128xi32>
      %jit3A_741 = arith.constant 0.000000e+00 : f32
      %broadcast_in_dim3A_742 = vector.broadcast %jit3A_741 : f32 to vector<1x128xf32>
      %select_n3A_743 = arith.select %eq3A_740, %scan3A_736, %broadcast_in_dim3A_742 : vector<1x128xi1>, vector<1x128xf32>
      %reduce_sum3A = vector.shape_cast %select_n3A_743 : vector<1x128xf32> to vector<1x1x128xf32>
      %reduce_sum3A_744 = arith.constant dense<0.000000e+00> : vector<1xf32>
      %reduce_sum3A_745 = vector.multi_reduction <add>, %reduce_sum3A, %reduce_sum3A_744 [1, 2] : vector<1x1x128xf32> to vector<1xf32>
      %reduce_sum3A_746 = vector.shape_cast %reduce_sum3A_745 : vector<1xf32> to vector<1x1x1xf32>
      %reduce_sum3A_747 = vector.extract %reduce_sum3A_746[0, 0, 0] : f32 from vector<1x1x1xf32>
      %mul3A_748 = vector.broadcast %reduce_sum3A_747 : f32 to vector<1x128xf32>
      %mul3A_749 = arith.mulf %get3A_739, %mul3A_748 : vector<1x128xf32>
      %sub3A_750 = arith.constant 1.000000e+00 : f32
      %sub3A_751 = vector.broadcast %sub3A_750 : f32 to vector<1x128xf32>
      %sub3A_752 = arith.subf %sub3A_751, %mul3A_749 : vector<1x128xf32>
      %mul3A_753 = arith.mulf %scan3A_736, %sub3A_752 : vector<1x128xf32>
      scf.yield %mul3A_753 : vector<1x128xf32>
    }
    %scan3A_593 = arith.constant 128 : i32
    %swap3A_594 = arith.constant 0 : index
    %swap3A_595 = arith.constant 1664 : index
    %swap3A_596 = vector.load %arg6[%swap3A_594, %swap3A_595] : memref<1x2048xf32, #tpu.memory_space<vmem>>, vector<1x128xf32>
    tpu.vector_store %arg6[%swap3A_594, %swap3A_595], %scan3A_592 {strides = array<i32>} : memref<1x2048xf32, #tpu.memory_space<vmem>>, vector<1x128xf32>,
    %get3A_597 = arith.constant 1664 : index
    %get3A_598 = arith.constant 0 : index
    %get3A_599 = vector.load %arg5[%get3A_597, %get3A_598] : memref<2048x2048xf32, #tpu.memory_space<vmem>>, vector<128x2048xf32>
    %dot_general3A_600 = arith.constant dense<0.000000e+00> : vector<1x2048xf32>
    %dot_general3A_601 = tpu.matmul %scan3A_592, %get3A_599, %dot_general3A_600 {dimension_numbers = #tpu.dot_dimension_numbers<[1], [0], [0], [1], [0, 0, 1, 1], [], []>, precision = #tpu.contract_precision<fp32>, transpose_lhs_hint = false} : vector<1x128xf32>, vector<128x2048xf32>, vector<1x2048xf32> -> vector<1x2048xf32>
    %gt3A_602 = arith.constant 5.000000e-01 : f32
    %gt3A_603 = vector.broadcast %gt3A_602 : f32 to vector<1x2048xf32>
    %gt3A_604 = arith.cmpf ogt, %dot_general3A_601, %gt3A_603 : vector<1x2048xf32>
    %ge3A_605 = arith.constant 1792 : i32
    %ge3A_606 = vector.broadcast %ge3A_605 : i32 to vector<1x2048xi32>
    %ge3A_607 = arith.cmpi sge, %iota3A, %ge3A_606 : vector<1x2048xi32>
    %and3A_608 = arith.andi %gt3A_604, %ge3A_607 : vector<1x2048xi1>
    %convert_element_type3A_609 = arith.extui %and3A_608 : vector<1x2048xi1> to vector<1x2048xi32>
    %convert_element_type3A_610 = arith.sitofp %convert_element_type3A_609 : vector<1x2048xi32> to vector<1x2048xf32>
    %get3A_611 = arith.constant 0 : index
    %get3A_612 = arith.constant 0 : index
    %get3A_613 = vector.load %arg6[%get3A_611, %get3A_612] : memref<1x2048xf32, #tpu.memory_space<vmem>>, vector<1x2048xf32>
    %sub3A_614 = arith.constant 1.000000e+00 : f32
    %sub3A_615 = vector.broadcast %sub3A_614 : f32 to vector<1x2048xf32>
    %sub3A_616 = arith.subf %sub3A_615, %convert_element_type3A_610 : vector<1x2048xf32>
    %mul3A_617 = arith.mulf %get3A_613, %sub3A_616 : vector<1x2048xf32>
    %swap3A_618 = arith.constant 0 : index
    %swap3A_619 = arith.constant 0 : index
    %swap3A_620 = vector.load %arg6[%swap3A_618, %swap3A_619] : memref<1x2048xf32, #tpu.memory_space<vmem>>, vector<1x2048xf32>
    tpu.vector_store %arg6[%swap3A_618, %swap3A_619], %mul3A_617 {strides = array<i32>} : memref<1x2048xf32, #tpu.memory_space<vmem>>, vector<1x2048xf32>,
    %get3A_621 = arith.constant 1792 : index
    %get3A_622 = arith.constant 1792 : index
    %get3A_623 = vector.load %arg5[%get3A_621, %get3A_622] : memref<2048x2048xf32, #tpu.memory_space<vmem>>, vector<128x128xf32>
    %mul3A_624 = arith.mulf %get3A_623, %convert_element_type3A_22 : vector<128x128xf32>
    %swap3A_625 = arith.constant 0 : index
    %swap3A_626 = arith.constant 0 : index
    %swap3A_627 = vector.load %arg10[%swap3A_625, %swap3A_626] : memref<128x128xf32, #tpu.memory_space<vmem>>, vector<128x128xf32>
    tpu.vector_store %arg10[%swap3A_625, %swap3A_626], %mul3A_624 {strides = array<i32>} : memref<128x128xf32, #tpu.memory_space<vmem>>, vector<128x128xf32>,
    %get3A_628 = arith.constant 0 : index
    %get3A_629 = arith.constant 1792 : index
    %get3A_630 = vector.load %arg6[%get3A_628, %get3A_629] : memref<1x2048xf32, #tpu.memory_space<vmem>>, vector<1x128xf32>
    %scan3A_631 = arith.constant 0 : i32
    %scan3A_632 = arith.constant 128 : i32
    %scan3A_633 = arith.addi %scan3A_631, %scan3A_632 : i32
    %scan3A_634 = arith.constant 1 : i32
    %scan3A_635 = scf.for %scan3A_735 = %scan3A_631 to %scan3A_633 step %scan3A_634 iter_args(%scan3A_736 = %get3A_630) -> (vector<1x128xf32>)  : i32 {
      %get3A_737 = arith.index_cast %scan3A_735 : i32 to index
      %get3A_738 = arith.constant 0 : index
      %get3A_739 = vector.load %arg10[%get3A_737, %get3A_738] : memref<128x128xf32, #tpu.memory_space<vmem>>, vector<1x128xf32>
      %eq3A = vector.broadcast %scan3A_735 : i32 to vector<1x128xi32>
      %eq3A_740 = arith.cmpi eq, %iota3A_19, %eq3A : vector<1x128xi32>
      %jit3A_741 = arith.constant 0.000000e+00 : f32
      %broadcast_in_dim3A_742 = vector.broadcast %jit3A_741 : f32 to vector<1x128xf32>
      %select_n3A_743 = arith.select %eq3A_740, %scan3A_736, %broadcast_in_dim3A_742 : vector<1x128xi1>, vector<1x128xf32>
      %reduce_sum3A = vector.shape_cast %select_n3A_743 : vector<1x128xf32> to vector<1x1x128xf32>
      %reduce_sum3A_744 = arith.constant dense<0.000000e+00> : vector<1xf32>
      %reduce_sum3A_745 = vector.multi_reduction <add>, %reduce_sum3A, %reduce_sum3A_744 [1, 2] : vector<1x1x128xf32> to vector<1xf32>
      %reduce_sum3A_746 = vector.shape_cast %reduce_sum3A_745 : vector<1xf32> to vector<1x1x1xf32>
      %reduce_sum3A_747 = vector.extract %reduce_sum3A_746[0, 0, 0] : f32 from vector<1x1x1xf32>
      %mul3A_748 = vector.broadcast %reduce_sum3A_747 : f32 to vector<1x128xf32>
      %mul3A_749 = arith.mulf %get3A_739, %mul3A_748 : vector<1x128xf32>
      %sub3A_750 = arith.constant 1.000000e+00 : f32
      %sub3A_751 = vector.broadcast %sub3A_750 : f32 to vector<1x128xf32>
      %sub3A_752 = arith.subf %sub3A_751, %mul3A_749 : vector<1x128xf32>
      %mul3A_753 = arith.mulf %scan3A_736, %sub3A_752 : vector<1x128xf32>
      scf.yield %mul3A_753 : vector<1x128xf32>
    }
    %scan3A_636 = arith.constant 128 : i32
    %swap3A_637 = arith.constant 0 : index
    %swap3A_638 = arith.constant 1792 : index
    %swap3A_639 = vector.load %arg6[%swap3A_637, %swap3A_638] : memref<1x2048xf32, #tpu.memory_space<vmem>>, vector<1x128xf32>
    tpu.vector_store %arg6[%swap3A_637, %swap3A_638], %scan3A_635 {strides = array<i32>} : memref<1x2048xf32, #tpu.memory_space<vmem>>, vector<1x128xf32>,
    %get3A_640 = arith.constant 1792 : index
    %get3A_641 = arith.constant 0 : index
    %get3A_642 = vector.load %arg5[%get3A_640, %get3A_641] : memref<2048x2048xf32, #tpu.memory_space<vmem>>, vector<128x2048xf32>
    %dot_general3A_643 = arith.constant dense<0.000000e+00> : vector<1x2048xf32>
    %dot_general3A_644 = tpu.matmul %scan3A_635, %get3A_642, %dot_general3A_643 {dimension_numbers = #tpu.dot_dimension_numbers<[1], [0], [0], [1], [0, 0, 1, 1], [], []>, precision = #tpu.contract_precision<fp32>, transpose_lhs_hint = false} : vector<1x128xf32>, vector<128x2048xf32>, vector<1x2048xf32> -> vector<1x2048xf32>
    %gt3A_645 = arith.constant 5.000000e-01 : f32
    %gt3A_646 = vector.broadcast %gt3A_645 : f32 to vector<1x2048xf32>
    %gt3A_647 = arith.cmpf ogt, %dot_general3A_644, %gt3A_646 : vector<1x2048xf32>
    %ge3A_648 = arith.constant 1920 : i32
    %ge3A_649 = vector.broadcast %ge3A_648 : i32 to vector<1x2048xi32>
    %ge3A_650 = arith.cmpi sge, %iota3A, %ge3A_649 : vector<1x2048xi32>
    %and3A_651 = arith.andi %gt3A_647, %ge3A_650 : vector<1x2048xi1>
    %convert_element_type3A_652 = arith.extui %and3A_651 : vector<1x2048xi1> to vector<1x2048xi32>
    %convert_element_type3A_653 = arith.sitofp %convert_element_type3A_652 : vector<1x2048xi32> to vector<1x2048xf32>
    %get3A_654 = arith.constant 0 : index
    %get3A_655 = arith.constant 0 : index
    %get3A_656 = vector.load %arg6[%get3A_654, %get3A_655] : memref<1x2048xf32, #tpu.memory_space<vmem>>, vector<1x2048xf32>
    %sub3A_657 = arith.constant 1.000000e+00 : f32
    %sub3A_658 = vector.broadcast %sub3A_657 : f32 to vector<1x2048xf32>
    %sub3A_659 = arith.subf %sub3A_658, %convert_element_type3A_653 : vector<1x2048xf32>
    %mul3A_660 = arith.mulf %get3A_656, %sub3A_659 : vector<1x2048xf32>
    %swap3A_661 = arith.constant 0 : index
    %swap3A_662 = arith.constant 0 : index
    %swap3A_663 = vector.load %arg6[%swap3A_661, %swap3A_662] : memref<1x2048xf32, #tpu.memory_space<vmem>>, vector<1x2048xf32>
    tpu.vector_store %arg6[%swap3A_661, %swap3A_662], %mul3A_660 {strides = array<i32>} : memref<1x2048xf32, #tpu.memory_space<vmem>>, vector<1x2048xf32>,
    %get3A_664 = arith.constant 1920 : index
    %get3A_665 = arith.constant 1920 : index
    %get3A_666 = vector.load %arg5[%get3A_664, %get3A_665] : memref<2048x2048xf32, #tpu.memory_space<vmem>>, vector<128x128xf32>
    %mul3A_667 = arith.mulf %get3A_666, %convert_element_type3A_22 : vector<128x128xf32>
    %swap3A_668 = arith.constant 0 : index
    %swap3A_669 = arith.constant 0 : index
    %swap3A_670 = vector.load %arg10[%swap3A_668, %swap3A_669] : memref<128x128xf32, #tpu.memory_space<vmem>>, vector<128x128xf32>
    tpu.vector_store %arg10[%swap3A_668, %swap3A_669], %mul3A_667 {strides = array<i32>} : memref<128x128xf32, #tpu.memory_space<vmem>>, vector<128x128xf32>,
    %get3A_671 = arith.constant 0 : index
    %get3A_672 = arith.constant 1920 : index
    %get3A_673 = vector.load %arg6[%get3A_671, %get3A_672] : memref<1x2048xf32, #tpu.memory_space<vmem>>, vector<1x128xf32>
    %scan3A_674 = arith.constant 0 : i32
    %scan3A_675 = arith.constant 128 : i32
    %scan3A_676 = arith.addi %scan3A_674, %scan3A_675 : i32
    %scan3A_677 = arith.constant 1 : i32
    %scan3A_678 = scf.for %scan3A_735 = %scan3A_674 to %scan3A_676 step %scan3A_677 iter_args(%scan3A_736 = %get3A_673) -> (vector<1x128xf32>)  : i32 {
      %get3A_737 = arith.index_cast %scan3A_735 : i32 to index
      %get3A_738 = arith.constant 0 : index
      %get3A_739 = vector.load %arg10[%get3A_737, %get3A_738] : memref<128x128xf32, #tpu.memory_space<vmem>>, vector<1x128xf32>
      %eq3A = vector.broadcast %scan3A_735 : i32 to vector<1x128xi32>
      %eq3A_740 = arith.cmpi eq, %iota3A_19, %eq3A : vector<1x128xi32>
      %jit3A_741 = arith.constant 0.000000e+00 : f32
      %broadcast_in_dim3A_742 = vector.broadcast %jit3A_741 : f32 to vector<1x128xf32>
      %select_n3A_743 = arith.select %eq3A_740, %scan3A_736, %broadcast_in_dim3A_742 : vector<1x128xi1>, vector<1x128xf32>
      %reduce_sum3A = vector.shape_cast %select_n3A_743 : vector<1x128xf32> to vector<1x1x128xf32>
      %reduce_sum3A_744 = arith.constant dense<0.000000e+00> : vector<1xf32>
      %reduce_sum3A_745 = vector.multi_reduction <add>, %reduce_sum3A, %reduce_sum3A_744 [1, 2] : vector<1x1x128xf32> to vector<1xf32>
      %reduce_sum3A_746 = vector.shape_cast %reduce_sum3A_745 : vector<1xf32> to vector<1x1x1xf32>
      %reduce_sum3A_747 = vector.extract %reduce_sum3A_746[0, 0, 0] : f32 from vector<1x1x1xf32>
      %mul3A_748 = vector.broadcast %reduce_sum3A_747 : f32 to vector<1x128xf32>
      %mul3A_749 = arith.mulf %get3A_739, %mul3A_748 : vector<1x128xf32>
      %sub3A_750 = arith.constant 1.000000e+00 : f32
      %sub3A_751 = vector.broadcast %sub3A_750 : f32 to vector<1x128xf32>
      %sub3A_752 = arith.subf %sub3A_751, %mul3A_749 : vector<1x128xf32>
      %mul3A_753 = arith.mulf %scan3A_736, %sub3A_752 : vector<1x128xf32>
      scf.yield %mul3A_753 : vector<1x128xf32>
    }
    %scan3A_679 = arith.constant 128 : i32
    %swap3A_680 = arith.constant 0 : index
    %swap3A_681 = arith.constant 1920 : index
    %swap3A_682 = vector.load %arg6[%swap3A_680, %swap3A_681] : memref<1x2048xf32, #tpu.memory_space<vmem>>, vector<1x128xf32>
    tpu.vector_store %arg6[%swap3A_680, %swap3A_681], %scan3A_678 {strides = array<i32>} : memref<1x2048xf32, #tpu.memory_space<vmem>>, vector<1x128xf32>,
    %get3A_683 = arith.constant 0 : index
    %get3A_684 = arith.constant 0 : index
    %get3A_685 = vector.load %arg6[%get3A_683, %get3A_684] : memref<1x2048xf32, #tpu.memory_space<vmem>>, vector<1x2048xf32>
    %lt3A_686 = arith.constant 2000 : i32
    %lt3A_687 = vector.broadcast %lt3A_686 : i32 to vector<1x2048xi32>
    %lt3A_688 = arith.cmpi slt, %iota3A, %lt3A_687 : vector<1x2048xi32>
    %gt3A_689 = arith.constant 5.000000e-01 : f32
    %gt3A_690 = vector.broadcast %gt3A_689 : f32 to vector<1x2048xf32>
    %gt3A_691 = arith.cmpf ogt, %get3A_685, %gt3A_690 : vector<1x2048xf32>
    %and3A_692 = arith.andi %gt3A_691, %lt3A_688 : vector<1x2048xi1>
    %get3A_693 = arith.constant 0 : index
    %get3A_694 = arith.constant 0 : index
    %get3A_695 = vector.load %arg2[%get3A_693, %get3A_694] : memref<1x2048xf32, #tpu.memory_space<vmem>>, vector<1x2048xf32>
    %jit3A = arith.constant -1.000000e+09 : f32
    %broadcast_in_dim3A_696 = vector.broadcast %jit3A : f32 to vector<1x2048xf32>
    %select_n3A = arith.select %and3A_692, %get3A_695, %broadcast_in_dim3A_696 : vector<1x2048xi1>, vector<1x2048xf32>
    %scan3A_697 = arith.constant 0 : i32
    %scan3A_698 = arith.constant 16 : i32
    %scan3A_699 = arith.addi %scan3A_697, %scan3A_698 : i32
    %scan3A_700 = arith.constant 1 : i32
    scf.for %scan3A_735 = %scan3A_697 to %scan3A_699 step %scan3A_700  : i32 {
      %mul3A_736 = arith.constant 128 : i32
      %mul3A_737 = arith.muli %scan3A_735, %mul3A_736 : i32
      %iota3A_738 = tpu.iota {dimensions = array<i32: 0>} : vector<128x2048xi32>
      %add3A = vector.broadcast %mul3A_737 : i32 to vector<128x2048xi32>
      %add3A_739 = arith.addi %iota3A_738, %add3A : vector<128x2048xi32>
      %iota3A_740 = tpu.iota {dimensions = array<i32: 1>} : vector<128x2048xi32>
      %eq3A = arith.cmpi eq, %add3A_739, %iota3A_740 : vector<128x2048xi32>
      %convert_element_type3A_741 = arith.extui %eq3A : vector<128x2048xi1> to vector<128x2048xi32>
      %convert_element_type3A_742 = arith.sitofp %convert_element_type3A_741 : vector<128x2048xi32> to vector<128x2048xf32>
      %swap3A_743 = arith.index_cast %mul3A_737 : i32 to index
      %swap3A_744 = arith.constant 0 : index
      %swap3A_745 = vector.load %arg5[%swap3A_743, %swap3A_744] : memref<2048x2048xf32, #tpu.memory_space<vmem>>, vector<128x2048xf32>
      tpu.vector_store %arg5[%swap3A_743, %swap3A_744], %convert_element_type3A_742 {strides = array<i32>} : memref<2048x2048xf32, #tpu.memory_space<vmem>>, vector<128x2048xf32>,
    }
    %scan3A_701 = arith.constant 16 : i32
    %get3A_702 = arith.constant 0 : index
    %get3A_703 = arith.constant 0 : index
    %get3A_704 = vector.load %arg5[%get3A_702, %get3A_703] : memref<2048x2048xf32, #tpu.memory_space<vmem>>, vector<2048x2048xf32>
    %dot_general3A_705 = arith.constant dense<0.000000e+00> : vector<2048x1xf32>
    %dot_general3A_706 = tpu.matmul %get3A_704, %get3A_685, %dot_general3A_705 {dimension_numbers = #tpu.dot_dimension_numbers<[1], [1], [0], [0], [0, 0, 1, 0], [], []>, precision = #tpu.contract_precision<fp32>, transpose_lhs_hint = false} : vector<2048x2048xf32>, vector<1x2048xf32>, vector<2048x1xf32> -> vector<2048x1xf32>
    %swap3A_707 = arith.constant 0 : index
    %swap3A_708 = arith.constant 0 : index
    %swap3A_709 = vector.load %arg7[%swap3A_707, %swap3A_708] : memref<2048x1xf32, #tpu.memory_space<vmem>>, vector<2048x1xf32>
    tpu.vector_store %arg7[%swap3A_707, %swap3A_708], %dot_general3A_706 {strides = array<i32>} : memref<2048x1xf32, #tpu.memory_space<vmem>>, vector<2048x1xf32>,
    %scan3A_710 = arith.constant 0 : i32
    %scan3A_711 = arith.constant 16 : i32
    %scan3A_712 = arith.addi %scan3A_710, %scan3A_711 : i32
    %scan3A_713 = arith.constant 1 : i32
    scf.for %scan3A_735 = %scan3A_710 to %scan3A_712 step %scan3A_713  : i32 {
      %mul3A_736 = arith.constant 128 : i32
      %mul3A_737 = arith.muli %scan3A_735, %mul3A_736 : i32
      %iota3A_738 = tpu.iota {dimensions = array<i32: 0>} : vector<128x1xi32>
      %add3A = vector.broadcast %mul3A_737 : i32 to vector<128x1xi32>
      %add3A_739 = arith.addi %iota3A_738, %add3A : vector<128x1xi32>
      %get3A_740 = arith.index_cast %mul3A_737 : i32 to index
      %get3A_741 = arith.constant 0 : index
      %get3A_742 = vector.load %arg7[%get3A_740, %get3A_741] : memref<2048x1xf32, #tpu.memory_space<vmem>>, vector<128x1xf32>
      %gt3A_743 = arith.constant 5.000000e-01 : f32
      %gt3A_744 = vector.broadcast %gt3A_743 : f32 to vector<128x1xf32>
      %gt3A_745 = arith.cmpf ogt, %get3A_742, %gt3A_744 : vector<128x1xf32>
      %lt3A_746 = arith.constant 2000 : i32
      %lt3A_747 = vector.broadcast %lt3A_746 : i32 to vector<128x1xi32>
      %lt3A_748 = arith.cmpi slt, %add3A_739, %lt3A_747 : vector<128x1xi32>
      %and3A_749 = arith.andi %gt3A_745, %lt3A_748 : vector<128x1xi1>
      %get3A_750 = arith.index_cast %mul3A_737 : i32 to index
      %get3A_751 = arith.constant 0 : index
      %get3A_752 = vector.load %arg3[%get3A_750, %get3A_751] : memref<2048x1xf32, #tpu.memory_space<vmem>>, vector<128x1xf32>
      %jit3A_753 = arith.constant -1.000000e+09 : f32
      %broadcast_in_dim3A_754 = vector.broadcast %jit3A_753 : f32 to vector<128x1xf32>
      %select_n3A_755 = arith.select %and3A_749, %get3A_752, %broadcast_in_dim3A_754 : vector<128x1xi1>, vector<128x1xf32>
      %broadcast_in_dim3A_756 = arith.constant 0.000000e+00 : f32
      %broadcast_in_dim3A_757 = vector.broadcast %broadcast_in_dim3A_756 : f32 to vector<128x1xf32>
      %scan3A_758 = arith.constant 0 : i32
      %scan3A_759 = arith.constant 16 : i32
      %scan3A_760 = arith.addi %scan3A_758, %scan3A_759 : i32
      %scan3A_761 = arith.constant 1 : i32
      %scan3A_762 = scf.for %scan3A_767 = %scan3A_758 to %scan3A_760 step %scan3A_761 iter_args(%scan3A_768 = %broadcast_in_dim3A_757) -> (vector<128x1xf32>)  : i32 {
        %mul3A_769 = arith.constant 128 : i32
        %mul3A_770 = arith.muli %scan3A_767, %mul3A_769 : i32
        %iota3A_771 = tpu.iota {dimensions = array<i32: 1>} : vector<1x128xi32>
        %add3A_772 = vector.broadcast %mul3A_770 : i32 to vector<1x128xi32>
        %add3A_773 = arith.addi %iota3A_771, %add3A_772 : vector<1x128xi32>
        %get3A_774 = arith.constant 0 : index
        %get3A_775 = arith.index_cast %mul3A_770 : i32 to index
        %get3A_776 = vector.load %arg6[%get3A_774, %get3A_775] : memref<1x2048xf32, #tpu.memory_space<vmem>>, vector<1x128xf32>
        %gt3A_777 = arith.constant 5.000000e-01 : f32
        %gt3A_778 = vector.broadcast %gt3A_777 : f32 to vector<1x128xf32>
        %gt3A_779 = arith.cmpf ogt, %get3A_776, %gt3A_778 : vector<1x128xf32>
        %lt3A_780 = arith.constant 2000 : i32
        %lt3A_781 = vector.broadcast %lt3A_780 : i32 to vector<1x128xi32>
        %lt3A_782 = arith.cmpi slt, %add3A_773, %lt3A_781 : vector<1x128xi32>
        %and3A_783 = arith.andi %gt3A_779, %lt3A_782 : vector<1x128xi1>
        %get3A_784 = arith.constant 0 : index
        %get3A_785 = arith.index_cast %mul3A_770 : i32 to index
        %get3A_786 = vector.load %arg2[%get3A_784, %get3A_785] : memref<1x2048xf32, #tpu.memory_space<vmem>>, vector<1x128xf32>
        %jit3A_787 = arith.constant -1.000000e+09 : f32
        %broadcast_in_dim3A_788 = vector.broadcast %jit3A_787 : f32 to vector<1x128xf32>
        %select_n3A_789 = arith.select %and3A_783, %get3A_786, %broadcast_in_dim3A_788 : vector<1x128xi1>, vector<1x128xf32>
        %gt3A_790 = vector.broadcast %select_n3A_789 : vector<1x128xf32> to vector<128x128xf32>
        %gt3A_791 = vector.broadcast %select_n3A_755 : vector<128x1xf32> to vector<128x128xf32>
        %gt3A_792 = arith.cmpf ogt, %gt3A_790, %gt3A_791 : vector<128x128xf32>
        %convert_element_type3A_793 = arith.extui %gt3A_792 : vector<128x128xi1> to vector<128x128xi32>
        %convert_element_type3A_794 = arith.sitofp %convert_element_type3A_793 : vector<128x128xi32> to vector<128x128xf32>
        %eq3A = vector.broadcast %select_n3A_789 : vector<1x128xf32> to vector<128x128xf32>
        %eq3A_795 = vector.broadcast %select_n3A_755 : vector<128x1xf32> to vector<128x128xf32>
        %eq3A_796 = arith.cmpf oeq, %eq3A, %eq3A_795 : vector<128x128xf32>
        %lt3A_797 = vector.broadcast %add3A_773 : vector<1x128xi32> to vector<128x128xi32>
        %lt3A_798 = vector.broadcast %add3A_739 : vector<128x1xi32> to vector<128x128xi32>
        %lt3A_799 = arith.cmpi slt, %lt3A_797, %lt3A_798 : vector<128x128xi32>
        %and3A_800 = arith.andi %eq3A_796, %lt3A_799 : vector<128x128xi1>
        %convert_element_type3A_801 = arith.extui %and3A_800 : vector<128x128xi1> to vector<128x128xi32>
        %convert_element_type3A_802 = arith.sitofp %convert_element_type3A_801 : vector<128x128xi32> to vector<128x128xf32>
        %add3A_803 = arith.addf %convert_element_type3A_794, %convert_element_type3A_802 : vector<128x128xf32>
        %reduce_sum3A = arith.constant dense<0.000000e+00> : vector<128xf32>
        %reduce_sum3A_804 = vector.multi_reduction <add>, %add3A_803, %reduce_sum3A [1] : vector<128x128xf32> to vector<128xf32>
        %broadcast_in_dim3A_805 = vector.shape_cast %reduce_sum3A_804 : vector<128xf32> to vector<128x1xf32>
        %add3A_806 = arith.addf %scan3A_768, %broadcast_in_dim3A_805 : vector<128x1xf32>
        scf.yield %add3A_806 : vector<128x1xf32>
      }
      %scan3A_763 = arith.constant 16 : i32
      %swap3A_764 = arith.index_cast %mul3A_737 : i32 to index
      %swap3A_765 = arith.constant 0 : index
      %swap3A_766 = vector.load %arg8[%swap3A_764, %swap3A_765] : memref<2048x1xf32, #tpu.memory_space<vmem>>, vector<128x1xf32>
      tpu.vector_store %arg8[%swap3A_764, %swap3A_765], %scan3A_762 {strides = array<i32>} : memref<2048x1xf32, #tpu.memory_space<vmem>>, vector<128x1xf32>,
    }
    %scan3A_714 = arith.constant 16 : i32
    %iota3A_715 = tpu.iota {dimensions = array<i32: 1>} : vector<1x1024xi32>
    %convert_element_type3A_716 = arith.sitofp %iota3A_715 : vector<1x1024xi32> to vector<1x1024xf32>
    %scan3A_717 = arith.constant 0 : i32
    %scan3A_718 = arith.constant 16 : i32
    %scan3A_719 = arith.addi %scan3A_717, %scan3A_718 : i32
    %scan3A_720 = arith.constant 1 : i32
    scf.for %scan3A_735 = %scan3A_717 to %scan3A_719 step %scan3A_720  : i32 {
      %mul3A_736 = arith.constant 128 : i32
      %mul3A_737 = arith.muli %scan3A_735, %mul3A_736 : i32
      %get3A_738 = arith.index_cast %mul3A_737 : i32 to index
      %get3A_739 = arith.constant 0 : index
      %get3A_740 = vector.load %arg8[%get3A_738, %get3A_739] : memref<2048x1xf32, #tpu.memory_space<vmem>>, vector<128x1xf32>
      %eq3A = vector.broadcast %get3A_740 : vector<128x1xf32> to vector<128x1024xf32>
      %eq3A_741 = vector.broadcast %convert_element_type3A_716 : vector<1x1024xf32> to vector<128x1024xf32>
      %eq3A_742 = arith.cmpf oeq, %eq3A, %eq3A_741 : vector<128x1024xf32>
      %convert_element_type3A_743 = arith.extui %eq3A_742 : vector<128x1024xi1> to vector<128x1024xi32>
      %convert_element_type3A_744 = arith.sitofp %convert_element_type3A_743 : vector<128x1024xi32> to vector<128x1024xf32>
      %swap3A_745 = arith.index_cast %mul3A_737 : i32 to index
      %swap3A_746 = arith.constant 0 : index
      %swap3A_747 = vector.load %arg9[%swap3A_745, %swap3A_746] : memref<2048x1024xf32, #tpu.memory_space<vmem>>, vector<128x1024xf32>
      tpu.vector_store %arg9[%swap3A_745, %swap3A_746], %convert_element_type3A_744 {strides = array<i32>} : memref<2048x1024xf32, #tpu.memory_space<vmem>>, vector<128x1024xf32>,
    }
    %scan3A_721 = arith.constant 16 : i32
    %get3A_722 = arith.constant 0 : index
    %get3A_723 = arith.constant 0 : index
    %get3A_724 = vector.load %arg0[%get3A_722, %get3A_723] : memref<4x2048xf32, #tpu.memory_space<vmem>>, vector<4x2048xf32>
    %broadcast_in_dim3A_725 = arith.constant 0.000000e+00 : f32
    %broadcast_in_dim3A_726 = vector.broadcast %broadcast_in_dim3A_725 : f32 to vector<3x2048xf32>
    %concatenate3A = tpu.concatenate %get3A_724, %select_n3A, %broadcast_in_dim3A_726 in 0 : vector<4x2048xf32>, vector<1x2048xf32>, vector<3x2048xf32> -> vector<8x2048xf32>
    %get3A_727 = arith.constant 0 : index
    %get3A_728 = arith.constant 0 : index
    %get3A_729 = vector.load %arg9[%get3A_727, %get3A_728] : memref<2048x1024xf32, #tpu.memory_space<vmem>>, vector<2048x1024xf32>
    %dot_general3A_730 = arith.constant dense<0.000000e+00> : vector<8x1024xf32>
    %dot_general3A_731 = tpu.matmul %concatenate3A, %get3A_729, %dot_general3A_730 {dimension_numbers = #tpu.dot_dimension_numbers<[1], [0], [0], [1], [0, 0, 1, 1], [], []>, precision = #tpu.contract_precision<fp32>, transpose_lhs_hint = false} : vector<8x2048xf32>, vector<2048x1024xf32>, vector<8x1024xf32> -> vector<8x1024xf32>
    %swap3A_732 = arith.constant 0 : index
    %swap3A_733 = arith.constant 0 : index
    %swap3A_734 = vector.load %arg4[%swap3A_732, %swap3A_733] : memref<8x1024xf32, #tpu.memory_space<vmem>>, vector<8x1024xf32>
    tpu.vector_store %arg4[%swap3A_732, %swap3A_733], %dot_general3A_731 {strides = array<i32>} : memref<8x1024xf32, #tpu.memory_space<vmem>>, vector<8x1024xf32>,
    return
  }
}

</mosaic_0001>

<sc_bundles>
// kernel: kernel.10.cloned.1.call-start
scs
__scs_entry_jumppad:
0x0: {  	(pc) =	sbr.rel $0x88, $3  }
0x1: {  	(tag) =	ssettag $0x0;
	lr =	simm.s32 $0x1  }
0x2: {  	[smem:$0x3F9E] =	sst lr;
	_ =	strace $0xD0000000  }
0x3: {  	_ = 	snop  }
0x4: {  	_ = 	snop  }
0x5: {  	_ = 	snop  }
0x6: {  	_ = 	snop  }
0x7: {  	_ = 	snop  }
__scs_overlays_trampoline_lowered:
0x8: {  	[smem:$0x3FAD] =	sst s0  }
0x9: {  	[smem:$0x3FAE] =	sst s1  }
0xa: {  	[smem:$0x3FAF] =	sst s2  }
0xb: {  	[smem:$0x3FB0] =	sst s3  }
0xc: {  	[smem:$0x3FB1] =	sst s4  }
0xd: {  	[smem:$0x3FB2] =	sst s5  }
0xe: {  	[smem:$0x3FB3] =	sst s6  }
0xf: {  	[smem:$0x3FB4] =	sst s7  }
0x10: {  	[smem:$0x3FB5] =	sst s8  }
0x11: {  	[smem:$0x3FB6] =	sst s9;
	s0 =	simm.s32 @!p0 $0x0  }
0x12: {  	s1 =	sld [smem:$0x3F9C];
	s0 =	simm.s32 @p0 $0x1  }
0x13: {  	[smem:$0x3FB7] =	sst s0;
	s0 =	simm.s32 @!p1 $0x0  }
0x14: {  	s2 =	sld [smem:$0x3F9B];
	s0 =	simm.s32 @p1 $0x1  }
0x15: {  	[smem:$0x3FB8] =	sst s0;
	s0 =	simm.s32 @!p2 $0x0  }
0x16: {  	s3 =	sld [smem:$0x3FDB];
	s0 =	simm.s32 @p2 $0x1  }
0x17: {  	s4 =	simm.s32 $0x1BF5;
	[smem:$0x3FBA] =	sst s0  }
0x18: {  	s0 =	sld [smem:$0x3F9D];
	_ =	swait.ge [sflag:s4], $0x0  }
0x19: {  	s7 =	sld [smem:$0x3F9E]  }
0x1a: {  	s8 =	sadd.s32 $0xFFFFE003, lr  }
0x1b: {  	s9 =	sadd.s32 $0xFFFFFEF7, lr;
	s5 =	simm.s32 $0xFFFFFFFF;
	p2 =	slt.u32 s8, $0xFFFFF086  }
0x1c: {  	p1 =	slt.u32 s9, $0xF7A;
	s5 =	simm.s32 @!p2 $0x0  }
0x1d: {  	s5 =	simm.s32 @p1 $0x1;
	p0 =	seq.s32 s7, s2  }
0x1e: {  	s7 =	smul.u32 @!p0 $0xF7A, s2;
	p2 =	seq.s32 @!p0 s5, $0x0  }
0x1f: {  	s9 =	smul.u32 $0xF7A, s1;
	s8 =	simm.s32 @!p0 $0x1BF5;
	p2 =	por !p2, p0  }
0x20: {  	[sflag:s8] =	ssyncset.s32 @!p0 $0xFFFFF086;
	s6 =	sadd.s32 @!p0 s3, s7;
	s7 =	simm.s32 @!p0 $0x108  }
0x21: {  	s3 =	sadd.s32 s3, s9;
	s6 =	sadd.s32 @!p0 $0x88, s6;
	s7 =	simm.s32 @p2 $0x1082  }
0x22: {  	[simem:s7], [sflag:s8] =	dma.local @!p0 [hbm:s6], $0xF7A  }
0x23: {  	s9 =	sor.u32 $0xD0000000, s2;
	s6 =	simm.s32 $0x108;
	_ =	swait.ge @!p0 [sflag:s8], $0x0  }
0x24: {  	s3 =	sadd.s32 $0x88, s3;
	s6 =	simm.s32 @!p1 $0x1082;
	[sflag:s4] =	ssyncset.s32 $0xFFFFF086  }
0x25: {  	[simem:s6], [sflag:s4] =	dma.local [hbm:s3], $0xF7A  }
0x26: {  	[smem:$0x3F9E] =	sst s1;
	(tag) =	ssettag s2;
	_ =	strace s9  }
0x27: {  	s1 =	sld [smem:$0x3FAE]  }
0x28: {  	s2 =	sld [smem:$0x3FAF]  }
0x29: {  	s4 =	sld [smem:$0x3FB1]  }
0x2a: {  	p0 =	seq.s32 s5, $0x0;
	s5 =	sld [smem:$0x3FB2]  }
0x2b: {  	s6 =	sld [smem:$0x3FB3]  }
0x2c: {  	s7 =	sld [smem:$0x3FB4]  }
0x2d: {  	s3 =	simm.s32 $0x108;
	s8 =	sld [smem:$0x3FB5]  }
0x2e: {  	s3 =	simm.s32 @!p0 $0x1082;
	s9 =	sld [smem:$0x3FB6]  }
0x2f: {  	lr =	sadd.s32 s0, s3;
	s0 =	sld [smem:$0x3FAD]  }
0x30: {  	s3 =	sld [smem:$0x3FB0]  }
0x31: {  	[smem:$0x3FB9] =	sst s10  }
0x32: {  	s10 =	sld [smem:$0x3FB7];
	_ =	sdelay $0x3  }
0x33: {  	p0 =	seq.s32 s10, $0x1;
	s10 =	sld [smem:$0x3FB9];
	_ =	sdelay $0x3  }
0x34: {  	[smem:$0x3FB9] =	sst s10  }
0x35: {  	s10 =	sld [smem:$0x3FB8];
	_ =	sdelay $0x3  }
0x36: {  	p1 =	seq.s32 s10, $0x1;
	s10 =	sld [smem:$0x3FB9];
	_ =	sdelay $0x3  }
0x37: {  	[smem:$0x3FB9] =	sst s10  }
0x38: {  	s10 =	sld [smem:$0x3FBA]  }
0x39: {  	_ = 	snop;
	(pc) =	sbr.ind lr, $3  }
0x3a: {  	_ = 	snop  }
0x3b: {  	_ = 	snop  }
0x3c: {  	p2 =	seq.s32 s10, $0x1;
	s10 =	sld [smem:$0x3FB9]  }
0x3d: {  	_ =	shalt  }
0x3e: {  	_ =	shalt  }
0x3f: {  	_ =	shalt  }
0x40: {  	_ =	shalt  }
0x41: {  	_ =	shalt  }
0x42: {  	_ =	shalt  }
0x43: {  	_ =	shalt  }
0x44: {  	_ =	shalt  }
0x45: {  	_ =	shalt  }
0x46: {  	_ =	shalt  }
0x47: {  	_ =	shalt  }
0x48: {  	_ =	shalt  }
0x49: {  	_ =	shalt  }
0x4a: {  	_ =	shalt  }
0x4b: {  	_ =	shalt  }
0x4c: {  	_ =	shalt  }
0x4d: {  	_ =	shalt  }
0x4e: {  	_ =	shalt  }
0x4f: {  	_ =	shalt  }
0x50: {  	_ =	shalt  }
0x51: {  	_ =	shalt  }
0x52: {  	_ =	shalt  }
0x53: {  	_ =	shalt  }
0x54: {  	_ =	shalt  }
0x55: {  	_ =	shalt  }
0x56: {  	_ =	shalt  }
0x57: {  	_ =	shalt  }
0x58: {  	_ =	shalt  }
0x59: {  	_ =	shalt  }
0x5a: {  	_ =	shalt  }
0x5b: {  	_ =	shalt  }
0x5c: {  	_ =	shalt  }
0x5d: {  	_ =	shalt  }
0x5e: {  	_ =	shalt  }
0x5f: {  	_ =	shalt  }
0x60: {  	_ =	shalt  }
0x61: {  	_ =	shalt  }
0x62: {  	_ =	shalt  }
0x63: {  	_ =	shalt  }
0x64: {  	_ =	shalt  }
0x65: {  	_ =	shalt  }
0x66: {  	_ =	shalt  }
0x67: {  	_ =	shalt  }
0x68: {  	_ =	shalt  }
0x69: {  	_ =	shalt  }
0x6a: {  	_ =	shalt  }
0x6b: {  	_ =	shalt  }
0x6c: {  	_ =	shalt  }
0x6d: {  	_ =	shalt  }
0x6e: {  	_ =	shalt  }
0x6f: {  	_ =	shalt  }
0x70: {  	_ =	shalt  }
0x71: {  	_ =	shalt  }
0x72: {  	_ =	shalt  }
0x73: {  	_ =	shalt  }
0x74: {  	_ =	shalt  }
0x75: {  	_ =	shalt  }
0x76: {  	_ =	shalt  }
0x77: {  	_ =	shalt  }
0x78: {  	_ =	shalt  }
0x79: {  	_ =	shalt  }
0x7a: {  	_ =	shalt  }
0x7b: {  	_ =	shalt  }
0x7c: {  	_ =	shalt  }
0x7d: {  	_ =	shalt  }
0x7e: {  	_ =	shalt  }
0x7f: {  	_ =	shalt  }
0x80: {  	_ =	shalt  }
0x81: {  	_ =	shalt  }
0x82: {  	_ =	shalt  }
0x83: {  	_ =	shalt  }
0x84: {  	_ =	shalt  }
0x85: {  	_ =	shalt  }
0x86: {  	_ =	shalt  }
0x87: {  	_ =	shalt  }
.Lfunc_end0:
.L_simem_size_0:
called_computation.1_lowered:
.L_overlay_start_0:
0x88: {  	s2 =	sld [smem:$0x3FD9]  }
0x89: {  	s3 =	sld [smem:$0x3FFE];
	_ =	sdelay $0x1  }
0x8a: {  	s1 =	srdreg.scid  }
0x8b: {  	s0 =	sand.u32 $0x1, s1  }
0x8c: {  	s17 =	sshll.u32 s0, $0xA;
	s2 =	sadd.s32 s3, s2  }
0x8d: {  	s2 =	sadd.s32 s2, s17  }
0x8e: {  	[smem:$0x3FC5] =	sst s2  }
0x8f: {  	_ = 	snop  }
0x90: {  	s2 =	sld [smem:$0x3FD0];
	(tm) =	ssettm $0x1  }
0x91: {  	s18 =	sld [smem:$0x3FFB];
	_ =	sdelay $0x3  }
0x92: {  	_ =	strace s18  }
0x93: {  	s3 =	sld [smem:$0x3FFC];
	_ =	sdelay $0x3  }
0x94: {  	_ =	strace s3  }
0x95: {  	s3 =	sld [smem:$0x3FFD];
	_ =	sdelay $0x3  }
0x96: {  	_ =	strace s3  }
0x97: {  	_ =	strace $0x8FFFFFFF  }
0x98: {  	s19 =	sld [smem:$0x3FDB];
	_ =	sdelay $0x1  }
0x99: {  	s4 =	simm.s32 $_scs_section_size  }
0x9a: {  	s5 =	simm.s32 $_size__tile_overlayer_lowered;
	s6 =	simm.s32 $_tile_overlayer_lowered  }
0x9b: {  	s22 =	simm.s32 $0x1BFF;
	s21 =	sshll.u32 s6, $0x1;
	s3 =	sadd.s32 s4, s19  }
0x9c: {  	s7 =	simm.s32 $0x0;
	s20 =	sshll.u32 s5, $0x1;
	s5 =	sadd.s32 s21, s3  }
0x9d: {  	[timem:s7], [sflag:s22] =	dma.local [hbm:s5], s20  }
0x9e: {  	_ =	swait.ge [sflag:s22], s20  }
0x9f: {  	s4 =	ssub.s32 $0x0, s20;
	[sflag:s22] =	ssyncset.done $0x0  }
0xa0: {  	[sflag:s22] =	ssyncadd.s32 s4;
	_ =	sdelay $0x1  }
0xa1: {  	s23 =	simm.s32 $0x1B8B  }
0xa2: {  	_ =	swait.ge [sflag:s23], $0x1  }
0xa3: {  	[sflag:s23] =	ssyncset.done $0x0  }
0xa4: {  	s25 =	simm.s32 $0x1B8E;
	s24 =	sld [smem:$0x3FFE];
	[sflag:s23] =	ssyncadd.s32 $0xFFFFFFFF  }
0xa5: {  	s26 =	simm.s32 $execute0_lowered;
	[smem:$0x3FD2] =	sst s25  }
0xa6: {  	s5 =	sshll.u32 s26, $0x1;
	_ =	strace $0x80000049;
	[dreg:$0x1] =	wrdreg $0xFFFFFFFF  }
0xa7: {  	s28 =	simm.s32 $_size_execute0_lowered;
	s3 =	sadd.s32 s3, s5;
	[dreg:$0x0] =	wrdreg $0x0  }
0xa8: {  	s5 =	sshll.u32 s28, $0x1;
	[dreg:$0x2] =	wrdreg s3  }
0xa9: {  	[dreg:$0x3] =	wrdreg s5  }
0xaa: {  	[dreg:$0x4] =	wrdreg $0xC0  }
0xab: {  	_ =	task [dreg:s7], $0x5FFFF  }
0xac: {  	[dreg:$0x1] =	wrdreg $0xFFFFFFFF  }
0xad: {  	[dreg:$0x0] =	wrdreg $0x60  }
0xae: {  	[dreg:$0x2] =	wrdreg s24  }
0xaf: {  	[dreg:$0x3] =	wrdreg s2  }
0xb0: {  	[dreg:$0x4] =	wrdreg $0x9  }
0xb1: {  	_ =	task.clear_ibuf [dreg:s7], $0x5FFFF;
	_ =	strace $0x90000049  }
0xb2: {  	s29 =	simm.s32 $0x9;
	_ =	strace $0x8000004B  }
0xb3: {  	_ =	swait.ge [sflag:s29], $0x1  }
0xb4: {  	[sflag:s29] =	ssyncadd.s32 $0xFFFFFFFF  }
0xb5: {  	_ =	strace $0x9000004B  }
0xb6: {  	_ =	sfence  }
0xb7: {  	s30 =	sld [smem:$0x0];
	_ =	sdelay $0x2  }
0xb8: {  	s31 =	sshll.u32 s1, $0xD;
	s1 =	sshrl.u32 s1, $0x2  }
0xb9: {  	s3 =	sand.u32 $0x4000, s31;
	s1 =	sadd.s32 s1, s30  }
0xba: {  	s0 =	sor.u32 s3, s0;
	s1 =	sshll.u32 s1, $0x11  }
0xbb: {  	s0 =	sor.u32 s1, s0  }
0xbc: {  	s0 =	sadd.s32 $0x8F2B, s0  }
0xbd: {  	[sflag:s0] =	ssyncadd.remote.s32 $0x1  }
0xbe: {  	_ =	sfence.sel $0xFFFF  }
0xbf: {  	[dreg:$0x0] =	wrdreg $0xFFFFFFFF;
	(pc) =	sbr.abs _section_cstart, $3  }
0xc0: {  	[dreg:$0x1] =	wrdreg $0xFFFFFFFF  }
0xc1: {  	_ =	task.clear_ibuf [dreg:s7], $0x2FFFF;
	_ =	strace $0x9FFFFFFF  }
0xc2: {  	(tm) =	ssettm $0x7FFFFFFF  }
0xc3: {  	_ =	shalt  }
tec
execute0_lowered:
.L_overlay_start_1:
0x0: {  	(tag) =	ssettag $0x1  }
0x1: {  	s7 =	rddreg [dreg:$0x0]  }
0x2: {  	s6 =	rddreg [dreg:$0x1]  }
0x3: {  	s3 =	srdreg.scid;
	s1 =	stileid.u32  }
0x4: {  	s0 =	rddreg [dreg:$0x2];
	s8 =	sand.u32 $0x1, s3;
	s30 =	sshll.u32 s1, $0x1  }
0x5: {  	s2 =	simm.s32 $0x0;
	s4 =	simm.s32 $0x40;
	s9 =	sor.u32 s8, s30  }
0x6: {  	s5 =	simm.s32 $0x2;
	[smem:$0x7FF] =	sst s2;
	s3 =	sshll.u32 s9, $0x7  }
0x7: {  	_ =	strace $0x8000004A;
	s8 =	ssub.s32 $0x2, s8;
	s3 =	sadd.s32 s7, s3  }
0x8: {  	[tilespmem:s4], [sflag:$0x2] =	stream.linear.gather [hbm4b:s3+s2], $0x400, $0x38;
	[tilespmem:$0x440] =	vst v63  }
0x9: {  	s31 =	sshrl.u32 s8, $0x1;
	_ =	swait.ge [sflag:s5], $0x400  }
0xa: {  	s9 =	sshll.u32 s9, $0x3;
	s8 =	ssub.s32 s8, s31;
	[sflag:s5] =	ssyncset.done $0x0  }
0xb: {  	s6 =	sadd.s32 s6, s9;
	s9 =	smax.u32 s8, $0x1;
	[sflag:s5] =	ssyncadd.s32 $0xFFFFFC00  }
0xc: {  	[tilespmem:s2], [sflag:$0x2] =	stream.linear.gather [hbm4b:s6+s2], $0x40, $0x38;
	[tilespmem:$0x440] =	vst v63  }
0xd: {  	p0 =	sne.s32 s9, $0x1;
	_ =	swait.ge [sflag:s5], $0x40  }
.Ltmp0:
0xe: {  	[sflag:s5] =	ssyncset.done $0x0;
	(pc) =	sbr.rel @!p0 .LBB2_2-.Ltmp0, $4  }
0xf: {  	s7 =	sadd.s32 $0x1000, s7;
	s8 =	simm.s32 $0x1;
	[sflag:s5] =	ssyncadd.s32 $0xFFFFFFC0  }
0x10: {  	[hbm4b:s7+s4] =	stream.indirect.scatter [tilespmem:s4], [sflag:$0x1], $0x10, s2, s4, $0xb8;
	[tilespmem:$0x440] =	vst v63  }
0x11: {  	_ =	swait.ge [sflag:s8], $0x400  }
0x12: {  	s9 =	sadd.s32 $0xFFFFFFFF, s9;
	[sflag:s8] =	ssyncset.done $0x0  }
.LBB2_1:
0x13: {  	p0 =	sne.s32 s9, $0x1;
	s9 =	sadd.s32 $0xFFFFFFFF, s9;
	[sflag:s8] =	ssyncadd.s32 $0xFFFFFC00  }
0x14: {  	[tilespmem:s4], [sflag:$0x2] =	stream.linear.gather [hbm4b:s3+s2], $0x400, $0x38;
	[tilespmem:$0x440] =	vst v63  }
0x15: {  	_ =	swait.ge [sflag:s5], $0x400  }
0x16: {  	[sflag:s5] =	ssyncset.done $0x0  }
0x17: {  	[sflag:s5] =	ssyncadd.s32 $0xFFFFFC00  }
0x18: {  	[tilespmem:s2], [sflag:$0x2] =	stream.linear.gather [hbm4b:s6+s2], $0x40, $0x38;
	[tilespmem:$0x440] =	vst v63  }
0x19: {  	_ =	swait.ge [sflag:s5], $0x40  }
.Ltmp1:
0x1a: {  	[sflag:s5] =	ssyncset.done $0x0;
	(pc) =	sbr.rel @p0 .LBB2_1-.Ltmp1, $4  }
0x1b: {  	[sflag:s5] =	ssyncadd.s32 $0xFFFFFFC0  }
0x1c: {  	[hbm4b:s7+s4] =	stream.indirect.scatter [tilespmem:s4], [sflag:$0x1], $0x10, s2, s4, $0xb8;
	[tilespmem:$0x440] =	vst v63  }
0x1d: {  	_ =	swait.ge [sflag:s8], $0x400  }
0x1e: {  	[sflag:s8] =	ssyncset.done $0x0  }
.LBB2_2:
0x1f: {  	[sflag:s8] =	ssyncadd.s32 $0xFFFFFC00  }
0x20: {  	_ =	sfence.sel $0x180000  }
0x21: {  	[bflag:$0x0] =	sbarrier.arrive $0xFFFF  }
0x22: {  	p0 =	sne.s32 s1, $0x0;
	_ =	strace $0x9000004A  }
0x23: {  	s0 =	sadd.s32 @!p0 $0x100000, s0;
	[bflag:$0x2] =	sbarrier.arrive $0xFFFF  }
0x24: {  	[sflag:s0] =	ssyncadd.tile.s32 @!p0 $0x1;
	_ =	shalt  }
.Lfunc_end2:
_tile_overlayer_lowered:
.L_overlay_start_2:
0x25: {  	(tag) =	ssettag $0x2  }
0x26: {  	s0 =	rddreg [dreg:$0x0];
	s2 =	stileid.u32  }
0x27: {  	s1 =	rddreg [dreg:$0x1];
	p0 =	sne.s32 s2, $0x0  }
0x28: {  	s3 =	rddreg [dreg:$0x2];
	[bflag:$0x3] =	sbarrier.arrive $0xFFFF;
	s2 =	simm.s32 @!p0 $0x1C02  }
0x29: {  	[timem:s3], [sflag:s2] =	dma.local @!p0 [hbm:s0], s1  }
0x2a: {  	s0 =	simm.s32 @!p0 $0x2  }
0x2b: {  	_ =	swait.ge @!p0 [sflag:s0], s1  }
0x2c: {  	s1 =	ssub.s32 @!p0 $0x0, s1;
	[sflag:s0] =	ssyncset.done @!p0 $0x0  }
0x2d: {  	[sflag:s0] =	ssyncadd.s32 @!p0 s1  }
0x2e: {  	[bflag:$0x3] =	sbarrier.arrive $0xFFFF  }
0x2f: {  	_ =	shalt  }

// kernel: kernel.7.cloned.1.call-start
scs
__scs_entry_jumppad:
0x0: {  	(pc) =	sbr.rel $0x88, $3  }
0x1: {  	(tag) =	ssettag $0x0;
	lr =	simm.s32 $0x1  }
0x2: {  	[smem:$0x3F9E] =	sst lr;
	_ =	strace $0xD0000000  }
0x3: {  	_ = 	snop  }
0x4: {  	_ = 	snop  }
0x5: {  	_ = 	snop  }
0x6: {  	_ = 	snop  }
0x7: {  	_ = 	snop  }
__scs_overlays_trampoline_lowered:
0x8: {  	[smem:$0x3FAD] =	sst s0  }
0x9: {  	[smem:$0x3FAE] =	sst s1  }
0xa: {  	[smem:$0x3FAF] =	sst s2  }
0xb: {  	[smem:$0x3FB0] =	sst s3  }
0xc: {  	[smem:$0x3FB1] =	sst s4  }
0xd: {  	[smem:$0x3FB2] =	sst s5  }
0xe: {  	[smem:$0x3FB3] =	sst s6  }
0xf: {  	[smem:$0x3FB4] =	sst s7  }
0x10: {  	[smem:$0x3FB5] =	sst s8  }
0x11: {  	[smem:$0x3FB6] =	sst s9;
	s0 =	simm.s32 @!p0 $0x0  }
0x12: {  	s1 =	sld [smem:$0x3F9C];
	s0 =	simm.s32 @p0 $0x1  }
0x13: {  	[smem:$0x3FB7] =	sst s0;
	s0 =	simm.s32 @!p1 $0x0  }
0x14: {  	s2 =	sld [smem:$0x3F9B];
	s0 =	simm.s32 @p1 $0x1  }
0x15: {  	[smem:$0x3FB8] =	sst s0;
	s0 =	simm.s32 @!p2 $0x0  }
0x16: {  	s3 =	sld [smem:$0x3FDB];
	s0 =	simm.s32 @p2 $0x1  }
0x17: {  	s4 =	simm.s32 $0x1BF5;
	[smem:$0x3FBA] =	sst s0  }
0x18: {  	s0 =	sld [smem:$0x3F9D];
	_ =	swait.ge [sflag:s4], $0x0  }
0x19: {  	s7 =	sld [smem:$0x3F9E]  }
0x1a: {  	s8 =	sadd.s32 $0xFFFFE003, lr  }
0x1b: {  	s9 =	sadd.s32 $0xFFFFFEF7, lr;
	s5 =	simm.s32 $0xFFFFFFFF;
	p2 =	slt.u32 s8, $0xFFFFF086  }
0x1c: {  	p1 =	slt.u32 s9, $0xF7A;
	s5 =	simm.s32 @!p2 $0x0  }
0x1d: {  	s5 =	simm.s32 @p1 $0x1;
	p0 =	seq.s32 s7, s2  }
0x1e: {  	s7 =	smul.u32 @!p0 $0xF7A, s2;
	p2 =	seq.s32 @!p0 s5, $0x0  }
0x1f: {  	s9 =	smul.u32 $0xF7A, s1;
	s8 =	simm.s32 @!p0 $0x1BF5;
	p2 =	por !p2, p0  }
0x20: {  	[sflag:s8] =	ssyncset.s32 @!p0 $0xFFFFF086;
	s6 =	sadd.s32 @!p0 s3, s7;
	s7 =	simm.s32 @!p0 $0x108  }
0x21: {  	s3 =	sadd.s32 s3, s9;
	s6 =	sadd.s32 @!p0 $0x88, s6;
	s7 =	simm.s32 @p2 $0x1082  }
0x22: {  	[simem:s7], [sflag:s8] =	dma.local @!p0 [hbm:s6], $0xF7A  }
0x23: {  	s9 =	sor.u32 $0xD0000000, s2;
	s6 =	simm.s32 $0x108;
	_ =	swait.ge @!p0 [sflag:s8], $0x0  }
0x24: {  	s3 =	sadd.s32 $0x88, s3;
	s6 =	simm.s32 @!p1 $0x1082;
	[sflag:s4] =	ssyncset.s32 $0xFFFFF086  }
0x25: {  	[simem:s6], [sflag:s4] =	dma.local [hbm:s3], $0xF7A  }
0x26: {  	[smem:$0x3F9E] =	sst s1;
	(tag) =	ssettag s2;
	_ =	strace s9  }
0x27: {  	s1 =	sld [smem:$0x3FAE]  }
0x28: {  	s2 =	sld [smem:$0x3FAF]  }
0x29: {  	s4 =	sld [smem:$0x3FB1]  }
0x2a: {  	p0 =	seq.s32 s5, $0x0;
	s5 =	sld [smem:$0x3FB2]  }
0x2b: {  	s6 =	sld [smem:$0x3FB3]  }
0x2c: {  	s7 =	sld [smem:$0x3FB4]  }
0x2d: {  	s3 =	simm.s32 $0x108;
	s8 =	sld [smem:$0x3FB5]  }
0x2e: {  	s3 =	simm.s32 @!p0 $0x1082;
	s9 =	sld [smem:$0x3FB6]  }
0x2f: {  	lr =	sadd.s32 s0, s3;
	s0 =	sld [smem:$0x3FAD]  }
0x30: {  	s3 =	sld [smem:$0x3FB0]  }
0x31: {  	[smem:$0x3FB9] =	sst s10  }
0x32: {  	s10 =	sld [smem:$0x3FB7];
	_ =	sdelay $0x3  }
0x33: {  	p0 =	seq.s32 s10, $0x1;
	s10 =	sld [smem:$0x3FB9];
	_ =	sdelay $0x3  }
0x34: {  	[smem:$0x3FB9] =	sst s10  }
0x35: {  	s10 =	sld [smem:$0x3FB8];
	_ =	sdelay $0x3  }
0x36: {  	p1 =	seq.s32 s10, $0x1;
	s10 =	sld [smem:$0x3FB9];
	_ =	sdelay $0x3  }
0x37: {  	[smem:$0x3FB9] =	sst s10  }
0x38: {  	s10 =	sld [smem:$0x3FBA]  }
0x39: {  	_ = 	snop;
	(pc) =	sbr.ind lr, $3  }
0x3a: {  	_ = 	snop  }
0x3b: {  	_ = 	snop  }
0x3c: {  	p2 =	seq.s32 s10, $0x1;
	s10 =	sld [smem:$0x3FB9]  }
0x3d: {  	_ =	shalt  }
0x3e: {  	_ =	shalt  }
0x3f: {  	_ =	shalt  }
0x40: {  	_ =	shalt  }
0x41: {  	_ =	shalt  }
0x42: {  	_ =	shalt  }
0x43: {  	_ =	shalt  }
0x44: {  	_ =	shalt  }
0x45: {  	_ =	shalt  }
0x46: {  	_ =	shalt  }
0x47: {  	_ =	shalt  }
0x48: {  	_ =	shalt  }
0x49: {  	_ =	shalt  }
0x4a: {  	_ =	shalt  }
0x4b: {  	_ =	shalt  }
0x4c: {  	_ =	shalt  }
0x4d: {  	_ =	shalt  }
0x4e: {  	_ =	shalt  }
0x4f: {  	_ =	shalt  }
0x50: {  	_ =	shalt  }
0x51: {  	_ =	shalt  }
0x52: {  	_ =	shalt  }
0x53: {  	_ =	shalt  }
0x54: {  	_ =	shalt  }
0x55: {  	_ =	shalt  }
0x56: {  	_ =	shalt  }
0x57: {  	_ =	shalt  }
0x58: {  	_ =	shalt  }
0x59: {  	_ =	shalt  }
0x5a: {  	_ =	shalt  }
0x5b: {  	_ =	shalt  }
0x5c: {  	_ =	shalt  }
0x5d: {  	_ =	shalt  }
0x5e: {  	_ =	shalt  }
0x5f: {  	_ =	shalt  }
0x60: {  	_ =	shalt  }
0x61: {  	_ =	shalt  }
0x62: {  	_ =	shalt  }
0x63: {  	_ =	shalt  }
0x64: {  	_ =	shalt  }
0x65: {  	_ =	shalt  }
0x66: {  	_ =	shalt  }
0x67: {  	_ =	shalt  }
0x68: {  	_ =	shalt  }
0x69: {  	_ =	shalt  }
0x6a: {  	_ =	shalt  }
0x6b: {  	_ =	shalt  }
0x6c: {  	_ =	shalt  }
0x6d: {  	_ =	shalt  }
0x6e: {  	_ =	shalt  }
0x6f: {  	_ =	shalt  }
0x70: {  	_ =	shalt  }
0x71: {  	_ =	shalt  }
0x72: {  	_ =	shalt  }
0x73: {  	_ =	shalt  }
0x74: {  	_ =	shalt  }
0x75: {  	_ =	shalt  }
0x76: {  	_ =	shalt  }
0x77: {  	_ =	shalt  }
0x78: {  	_ =	shalt  }
0x79: {  	_ =	shalt  }
0x7a: {  	_ =	shalt  }
0x7b: {  	_ =	shalt  }
0x7c: {  	_ =	shalt  }
0x7d: {  	_ =	shalt  }
0x7e: {  	_ =	shalt  }
0x7f: {  	_ =	shalt  }
0x80: {  	_ =	shalt  }
0x81: {  	_ =	shalt  }
0x82: {  	_ =	shalt  }
0x83: {  	_ =	shalt  }
0x84: {  	_ =	shalt  }
0x85: {  	_ =	shalt  }
0x86: {  	_ =	shalt  }
0x87: {  	_ =	shalt  }
.Lfunc_end0:
.L_simem_size_0:
called_computation_lowered:
.L_overlay_start_0:
0x88: {  	s2 =	sld [smem:$0x3FD9]  }
0x89: {  	s3 =	sld [smem:$0x3FFE];
	_ =	sdelay $0x1  }
0x8a: {  	s1 =	srdreg.scid  }
0x8b: {  	s0 =	sand.u32 $0x1, s1  }
0x8c: {  	s17 =	sshll.u32 s0, $0xA;
	s2 =	sadd.s32 s3, s2  }
0x8d: {  	s2 =	sadd.s32 s2, s17  }
0x8e: {  	[smem:$0x3FC5] =	sst s2  }
0x8f: {  	_ = 	snop  }
0x90: {  	s2 =	sld [smem:$0x3FD0];
	(tm) =	ssettm $0x1  }
0x91: {  	s18 =	sld [smem:$0x3FFB];
	_ =	sdelay $0x3  }
0x92: {  	_ =	strace s18  }
0x93: {  	s3 =	sld [smem:$0x3FFC];
	_ =	sdelay $0x3  }
0x94: {  	_ =	strace s3  }
0x95: {  	s3 =	sld [smem:$0x3FFD];
	_ =	sdelay $0x3  }
0x96: {  	_ =	strace s3  }
0x97: {  	_ =	strace $0x8FFFFFFF  }
0x98: {  	s19 =	sld [smem:$0x3FDB];
	_ =	sdelay $0x1  }
0x99: {  	s4 =	simm.s32 $_scs_section_size  }
0x9a: {  	s5 =	simm.s32 $_size__tile_overlayer_lowered;
	s6 =	simm.s32 $_tile_overlayer_lowered  }
0x9b: {  	s22 =	simm.s32 $0x1BFF;
	s21 =	sshll.u32 s6, $0x1;
	s3 =	sadd.s32 s4, s19  }
0x9c: {  	s7 =	simm.s32 $0x0;
	s20 =	sshll.u32 s5, $0x1;
	s5 =	sadd.s32 s21, s3  }
0x9d: {  	[timem:s7], [sflag:s22] =	dma.local [hbm:s5], s20  }
0x9e: {  	_ =	swait.ge [sflag:s22], s20  }
0x9f: {  	s4 =	ssub.s32 $0x0, s20;
	[sflag:s22] =	ssyncset.done $0x0  }
0xa0: {  	[sflag:s22] =	ssyncadd.s32 s4;
	_ =	sdelay $0x1  }
0xa1: {  	s23 =	simm.s32 $0x1B8B  }
0xa2: {  	_ =	swait.ge [sflag:s23], $0x1  }
0xa3: {  	[sflag:s23] =	ssyncset.done $0x0  }
0xa4: {  	s25 =	simm.s32 $0x1B8E;
	s24 =	sld [smem:$0x3FFE];
	[sflag:s23] =	ssyncadd.s32 $0xFFFFFFFF  }
0xa5: {  	s26 =	simm.s32 $execute0_lowered;
	[smem:$0x3FD2] =	sst s25  }
0xa6: {  	s5 =	sshll.u32 s26, $0x1;
	_ =	strace $0x80000046;
	[dreg:$0x1] =	wrdreg $0xFFFFFFFF  }
0xa7: {  	s28 =	simm.s32 $_size_execute0_lowered;
	s3 =	sadd.s32 s3, s5;
	[dreg:$0x0] =	wrdreg $0x0  }
0xa8: {  	s5 =	sshll.u32 s28, $0x1;
	[dreg:$0x2] =	wrdreg s3  }
0xa9: {  	[dreg:$0x3] =	wrdreg s5  }
0xaa: {  	[dreg:$0x4] =	wrdreg $0xC0  }
0xab: {  	_ =	task [dreg:s7], $0x5FFFF  }
0xac: {  	[dreg:$0x1] =	wrdreg $0xFFFFFFFF  }
0xad: {  	[dreg:$0x0] =	wrdreg $0x60  }
0xae: {  	[dreg:$0x2] =	wrdreg s24  }
0xaf: {  	[dreg:$0x3] =	wrdreg s2  }
0xb0: {  	[dreg:$0x4] =	wrdreg $0x9  }
0xb1: {  	_ =	task.clear_ibuf [dreg:s7], $0x5FFFF;
	_ =	strace $0x90000046  }
0xb2: {  	s29 =	simm.s32 $0x9;
	_ =	strace $0x80000048  }
0xb3: {  	_ =	swait.ge [sflag:s29], $0x1  }
0xb4: {  	[sflag:s29] =	ssyncadd.s32 $0xFFFFFFFF  }
0xb5: {  	_ =	strace $0x90000048  }
0xb6: {  	_ =	sfence  }
0xb7: {  	s30 =	sld [smem:$0x0];
	_ =	sdelay $0x2  }
0xb8: {  	s31 =	sshll.u32 s1, $0xD;
	s1 =	sshrl.u32 s1, $0x2  }
0xb9: {  	s3 =	sand.u32 $0x4000, s31;
	s1 =	sadd.s32 s1, s30  }
0xba: {  	s0 =	sor.u32 s3, s0;
	s1 =	sshll.u32 s1, $0x11  }
0xbb: {  	s0 =	sor.u32 s1, s0  }
0xbc: {  	s0 =	sadd.s32 $0x8F2B, s0  }
0xbd: {  	[sflag:s0] =	ssyncadd.remote.s32 $0x1  }
0xbe: {  	_ =	sfence.sel $0xFFFF  }
0xbf: {  	[dreg:$0x0] =	wrdreg $0xFFFFFFFF;
	(pc) =	sbr.abs _section_cstart, $3  }
0xc0: {  	[dreg:$0x1] =	wrdreg $0xFFFFFFFF  }
0xc1: {  	_ =	task.clear_ibuf [dreg:s7], $0x2FFFF;
	_ =	strace $0x9FFFFFFF  }
0xc2: {  	(tm) =	ssettm $0x7FFFFFFF  }
0xc3: {  	_ =	shalt  }
tec
execute0_lowered:
.L_overlay_start_1:
0x0: {  	(tag) =	ssettag $0x1  }
0x1: {  	s4 =	rddreg [dreg:$0x0];
	s1 =	srdreg.scid  }
0x2: {  	s0 =	stileid.u32;
	s10 =	rddreg [dreg:$0x1]  }
0x3: {  	s3 =	simm.s32 $0x0;
	s13 =	simm.s32 $0x280;
	s2 =	sand.u32 $0x1, s1  }
0x4: {  	s16 =	simm.s32 $0x2;
	s14 =	simm.s32 $0xA80;
	s7 =	ssub.s32 $0x2, s2  }
0x5: {  	s11 =	simm.s32 $0x100;
	s12 =	simm.s32 $0x1280;
	s8 =	sshrl.u32 s7, $0x1  }
0x6: {  	p1 =	por $0x0, $0x0;
	s5 =	sshll.u32 s0, $0x1;
	s7 =	ssub.s32 s7, s8  }
0x7: {  	s1 =	rddreg [dreg:$0x2];
	s5 =	sor.u32 s2, s5;
	s31 =	smax.u32 s7, $0x1  }
0x8: {  	[smem:$0x7FF] =	sst s3;
	s6 =	smul.u32 $0x500, s5;
	s22 =	sadd.s32 $0xFFFFFFFF, s31  }
0x9: {  	s18 =	sadd.s32 $0x19A0, s4;
	s9 =	smul.u32 $0x50, s5;
	p2 =	sne.s32 s22, $0x0  }
.Ltmp0:
0xa: {  	_ =	strace $0x80000047;
	s2 =	sadd.s32 $0xA00, s4;
	(pc) =	sbr.rel @!p2 .LBB2_3-.Ltmp0, $4  }
0xb: {  	p0 =	sne.s32 s5, $0x0;
	s5 =	simm.s32 $0x80;
	s8 =	simm.s32 $0x2280  }
0xc: {  	s20 =	simm.s32 @!p0 $0x0;
	s19 =	simm.s32 @!p0 $0x2;
	s6 =	sadd.s32 s6, s4  }
0xd: {  	s15 =	sadd.s32 s4, s9;
	s4 =	simm.s32 $0x1;
	s7 =	simm.s32 $0x180  }
0xe: {  	s9 =	simm.s32 $0x1A80;
	s17 =	sadd.s32 $0x50A00, s6;
	s6 =	simm.s32 $0x200  }
0xf: {  	s21 =	simm.s32 @!p0 $0x2A80  }
0x10: {  	[tilespmem:s21], [sflag:$0x2] =	stream.linear.gather @!p0 [hbm4b:s10+s20], $0x300, $0x38;
	[tilespmem:$0x2D80] =	vst v63  }
0x11: {  	_ =	swait.ge @!p0 [sflag:s19], $0x300  }
0x12: {  	[sflag:s19] =	ssyncset.done @!p0 $0x0  }
0x13: {  	[sflag:s19] =	ssyncadd.s32 @!p0 $0xFFFFFD00  }
0x14: {  	[hbm4b:s18+s20] =	stream.linear.scatter @!p0 [tilespmem:s21], [sflag:$0x2], $0x300, $0x38;
	[tilespmem:$0x2D80] =	vst v63  }
0x15: {  	_ =	swait.ge @!p0 [sflag:s19], $0x300  }
0x16: {  	[sflag:s19] =	ssyncset.done @!p0 $0x0  }
0x17: {  	[sflag:s19] =	ssyncadd.s32 @!p0 $0xFFFFFD00  }
0x18: {  	[bflag:$0x0] =	sbarrier.arrive $0xFFFF  }
0x19: {  	[tilespmem:s13], [sflag:$0x2] =	stream.linear.gather [hbm4b:s17+s3], $0x2800, $0x38;
	[tilespmem:$0x2D80] =	vst v63  }
0x1a: {  	_ =	swait.ge [sflag:s16], $0x2800  }
0x1b: {  	[sflag:s16] =	ssyncset.done $0x0  }
0x1c: {  	[sflag:s16] =	ssyncadd.s32 $0xFFFFD800  }
0x1d: {  	[tilespmem:s3], [sflag:$0x2] =	stream.linear.gather [hbm4b:s15+s3], $0x280, $0x38;
	[tilespmem:$0x2D80] =	vst v63  }
0x1e: {  	_ =	swait.ge [sflag:s16], $0x280  }
0x1f: {  	[sflag:s16] =	ssyncset.done $0x0  }
0x20: {  	[sflag:s16] =	ssyncadd.s32 $0xFFFFFD80  }
0x21: {  	[hbm4b:s2+s5] =	stream.indirect.scatter [tilespmem:s13], [sflag:$0x1], $0x10, s3, s5, $0xb8;
	[tilespmem:$0x2D80] =	vst v63  }
0x22: {  	_ =	swait.ge [sflag:s4], $0x800  }
0x23: {  	[sflag:s4] =	ssyncset.done $0x0  }
0x24: {  	[sflag:s4] =	ssyncadd.s32 $0xFFFFF800  }
0x25: {  	[hbm4b:s2+s5] =	stream.indirect.scatter [tilespmem:s14], [sflag:$0x1], $0x10, s5, s5, $0xb8;
	[tilespmem:$0x2D80] =	vst v63  }
0x26: {  	_ =	swait.ge [sflag:s4], $0x800  }
0x27: {  	[sflag:s4] =	ssyncset.done $0x0  }
0x28: {  	[sflag:s4] =	ssyncadd.s32 $0xFFFFF800  }
0x29: {  	[hbm4b:s2+s5] =	stream.indirect.scatter [tilespmem:s12], [sflag:$0x1], $0x10, s11, s5, $0xb8;
	[tilespmem:$0x2D80] =	vst v63  }
0x2a: {  	_ =	swait.ge [sflag:s4], $0x800  }
0x2b: {  	[sflag:s4] =	ssyncset.done $0x0  }
0x2c: {  	s22 =	sadd.s32 $0xFFFFFFFF, s22;
	[sflag:s4] =	ssyncadd.s32 $0xFFFFF800  }
0x2d: {  	[hbm4b:s2+s5] =	stream.indirect.scatter [tilespmem:s9], [sflag:$0x1], $0x10, s7, s5, $0xb8;
	[tilespmem:$0x2D80] =	vst v63  }
0x2e: {  	p2 =	sne.s32 s22, $0x0;
	_ =	swait.ge [sflag:s4], $0x800  }
.Ltmp1:
0x2f: {  	[sflag:s4] =	ssyncset.done $0x0;
	(pc) =	sbr.rel @!p2 .LBB2_3-.Ltmp1, $4  }
0x30: {  	[sflag:s4] =	ssyncadd.s32 $0xFFFFF800  }
0x31: {  	[hbm4b:s2+s5] =	stream.indirect.scatter [tilespmem:s8], [sflag:$0x1], $0x10, s6, s5, $0xb8;
	[tilespmem:$0x2D80] =	vst v63  }
0x32: {  	_ =	swait.ge [sflag:s4], $0x800  }
0x33: {  	p1 =	por $0x1, $0x1;
	[sflag:s4] =	ssyncset.done $0x0  }
.LBB2_2:
0x34: {  	s23 =	simm.s32 @!p0 $0x0;
	[sflag:s4] =	ssyncadd.s32 $0xFFFFF800  }
0x35: {  	[tilespmem:s21], [sflag:$0x2] =	stream.linear.gather @!p0 [hbm4b:s10+s20], $0x300, $0x38;
	[tilespmem:$0x2D80] =	vst v63  }
0x36: {  	s22 =	sadd.s32 $0xFFFFFFFF, s22;
	_ =	swait.ge @!p0 [sflag:s19], $0x300  }
0x37: {  	p2 =	sne.s32 s22, $0x0;
	[sflag:s19] =	ssyncset.done @!p0 $0x0  }
0x38: {  	[sflag:s19] =	ssyncadd.s32 @!p0 $0xFFFFFD00  }
0x39: {  	[hbm4b:s18+s20] =	stream.linear.scatter @!p0 [tilespmem:s21], [sflag:$0x2], $0x300, $0x38;
	[tilespmem:$0x2D80] =	vst v63  }
0x3a: {  	s20 =	smov.u32 s23;
	_ =	swait.ge @!p0 [sflag:s19], $0x300  }
0x3b: {  	[sflag:s19] =	ssyncset.done @!p0 $0x0  }
0x3c: {  	[sflag:s19] =	ssyncadd.s32 @!p0 $0xFFFFFD00  }
0x3d: {  	[bflag:$0x0] =	sbarrier.arrive $0xFFFF  }
0x3e: {  	[tilespmem:s13], [sflag:$0x2] =	stream.linear.gather [hbm4b:s17+s3], $0x2800, $0x38;
	[tilespmem:$0x2D80] =	vst v63  }
0x3f: {  	_ =	swait.ge [sflag:s16], $0x2800  }
0x40: {  	[sflag:s16] =	ssyncset.done $0x0  }
0x41: {  	[sflag:s16] =	ssyncadd.s32 $0xFFFFD800  }
0x42: {  	[tilespmem:s3], [sflag:$0x2] =	stream.linear.gather [hbm4b:s15+s3], $0x280, $0x38;
	[tilespmem:$0x2D80] =	vst v63  }
0x43: {  	_ =	swait.ge [sflag:s16], $0x280  }
0x44: {  	[sflag:s16] =	ssyncset.done $0x0  }
0x45: {  	[sflag:s16] =	ssyncadd.s32 $0xFFFFFD80  }
0x46: {  	[hbm4b:s2+s5] =	stream.indirect.scatter [tilespmem:s13], [sflag:$0x1], $0x10, s3, s5, $0xb8;
	[tilespmem:$0x2D80] =	vst v63  }
0x47: {  	_ =	swait.ge [sflag:s4], $0x800  }
0x48: {  	[sflag:s4] =	ssyncset.done $0x0  }
0x49: {  	[sflag:s4] =	ssyncadd.s32 $0xFFFFF800  }
0x4a: {  	[hbm4b:s2+s5] =	stream.indirect.scatter [tilespmem:s14], [sflag:$0x1], $0x10, s5, s5, $0xb8;
	[tilespmem:$0x2D80] =	vst v63  }
0x4b: {  	_ =	swait.ge [sflag:s4], $0x800  }
0x4c: {  	[sflag:s4] =	ssyncset.done $0x0  }
0x4d: {  	[sflag:s4] =	ssyncadd.s32 $0xFFFFF800  }
0x4e: {  	[hbm4b:s2+s5] =	stream.indirect.scatter [tilespmem:s12], [sflag:$0x1], $0x10, s11, s5, $0xb8;
	[tilespmem:$0x2D80] =	vst v63  }
0x4f: {  	_ =	swait.ge [sflag:s4], $0x800  }
0x50: {  	[sflag:s4] =	ssyncset.done $0x0  }
0x51: {  	[sflag:s4] =	ssyncadd.s32 $0xFFFFF800  }
0x52: {  	[hbm4b:s2+s5] =	stream.indirect.scatter [tilespmem:s9], [sflag:$0x1], $0x10, s7, s5, $0xb8;
	[tilespmem:$0x2D80] =	vst v63  }
0x53: {  	_ =	swait.ge [sflag:s4], $0x800  }
.Ltmp2:
0x54: {  	[sflag:s4] =	ssyncset.done $0x0;
	(pc) =	sbr.rel @p2 .LBB2_2-.Ltmp2, $4  }
0x55: {  	[sflag:s4] =	ssyncadd.s32 $0xFFFFF800  }
0x56: {  	[hbm4b:s2+s5] =	stream.indirect.scatter [tilespmem:s8], [sflag:$0x1], $0x10, s6, s5, $0xb8;
	[tilespmem:$0x2D80] =	vst v63  }
0x57: {  	_ =	swait.ge [sflag:s4], $0x800  }
0x58: {  	[sflag:s4] =	ssyncset.done $0x0  }
.LBB2_3:
0x59: {  	s21 =	simm.s32 @!p0 $0x2A80;
	[sflag:s4] =	ssyncadd.s32 @p1 $0xFFFFF800  }
0x5a: {  	[tilespmem:s21], [sflag:$0x2] =	stream.linear.gather @!p0 [hbm4b:s10+s20], $0x300, $0x38;
	[tilespmem:$0x2D80] =	vst v63  }
0x5b: {  	_ =	swait.ge @!p0 [sflag:s19], $0x300  }
0x5c: {  	[sflag:s19] =	ssyncset.done @!p0 $0x0  }
0x5d: {  	[sflag:s19] =	ssyncadd.s32 @!p0 $0xFFFFFD00  }
0x5e: {  	[hbm4b:s18+s20] =	stream.linear.scatter @!p0 [tilespmem:s21], [sflag:$0x2], $0x300, $0x38;
	[tilespmem:$0x2D80] =	vst v63  }
0x5f: {  	_ =	swait.ge @!p0 [sflag:s19], $0x300  }
0x60: {  	[sflag:s19] =	ssyncset.done @!p0 $0x0  }
0x61: {  	[sflag:s19] =	ssyncadd.s32 @!p0 $0xFFFFFD00  }
0x62: {  	[bflag:$0x0] =	sbarrier.arrive $0xFFFF  }
0x63: {  	[tilespmem:s13], [sflag:$0x2] =	stream.linear.gather [hbm4b:s17+s3], $0x2800, $0x38;
	[tilespmem:$0x2D80] =	vst v63  }
0x64: {  	_ =	swait.ge [sflag:s16], $0x2800  }
0x65: {  	[sflag:s16] =	ssyncset.done $0x0  }
0x66: {  	[sflag:s16] =	ssyncadd.s32 $0xFFFFD800  }
0x67: {  	[tilespmem:s3], [sflag:$0x2] =	stream.linear.gather [hbm4b:s15+s3], $0x280, $0x38;
	[tilespmem:$0x2D80] =	vst v63  }
0x68: {  	_ =	swait.ge [sflag:s16], $0x280  }
0x69: {  	[sflag:s16] =	ssyncset.done $0x0  }
0x6a: {  	[sflag:s16] =	ssyncadd.s32 $0xFFFFFD80  }
0x6b: {  	[hbm4b:s2+s5] =	stream.indirect.scatter [tilespmem:s13], [sflag:$0x1], $0x10, s3, s5, $0xb8;
	[tilespmem:$0x2D80] =	vst v63  }
0x6c: {  	_ =	swait.ge [sflag:s4], $0x800  }
0x6d: {  	[sflag:s4] =	ssyncset.done $0x0  }
0x6e: {  	[sflag:s4] =	ssyncadd.s32 $0xFFFFF800  }
0x6f: {  	[hbm4b:s2+s5] =	stream.indirect.scatter [tilespmem:s14], [sflag:$0x1], $0x10, s5, s5, $0xb8;
	[tilespmem:$0x2D80] =	vst v63  }
0x70: {  	_ =	swait.ge [sflag:s4], $0x800  }
0x71: {  	[sflag:s4] =	ssyncset.done $0x0  }
0x72: {  	[sflag:s4] =	ssyncadd.s32 $0xFFFFF800  }
0x73: {  	[hbm4b:s2+s5] =	stream.indirect.scatter [tilespmem:s12], [sflag:$0x1], $0x10, s11, s5, $0xb8;
	[tilespmem:$0x2D80] =	vst v63  }
0x74: {  	_ =	swait.ge [sflag:s4], $0x800  }
0x75: {  	[sflag:s4] =	ssyncset.done $0x0  }
0x76: {  	[sflag:s4] =	ssyncadd.s32 $0xFFFFF800  }
0x77: {  	[hbm4b:s2+s5] =	stream.indirect.scatter [tilespmem:s9], [sflag:$0x1], $0x10, s7, s5, $0xb8;
	[tilespmem:$0x2D80] =	vst v63  }
0x78: {  	_ =	swait.ge [sflag:s4], $0x800  }
0x79: {  	[sflag:s4] =	ssyncset.done $0x0  }
0x7a: {  	[sflag:s4] =	ssyncadd.s32 $0xFFFFF800  }
0x7b: {  	[hbm4b:s2+s5] =	stream.indirect.scatter [tilespmem:s8], [sflag:$0x1], $0x10, s6, s5, $0xb8;
	[tilespmem:$0x2D80] =	vst v63  }
0x7c: {  	_ =	swait.ge [sflag:s4], $0x800  }
0x7d: {  	[sflag:s4] =	ssyncset.done $0x0  }
0x7e: {  	[sflag:s4] =	ssyncadd.s32 $0xFFFFF800  }
0x7f: {  	_ =	sfence.sel $0x180000  }
0x80: {  	[bflag:$0x0] =	sbarrier.arrive $0xFFFF  }
0x81: {  	p0 =	sne.s32 s0, $0x0;
	_ =	strace $0x90000047  }
0x82: {  	s0 =	sadd.s32 @!p0 $0x100000, s1;
	[bflag:$0x2] =	sbarrier.arrive $0xFFFF  }
0x83: {  	[sflag:s0] =	ssyncadd.tile.s32 @!p0 $0x1;
	_ =	shalt  }
.Lfunc_end2:
_tile_overlayer_lowered:
.L_overlay_start_2:
0x84: {  	(tag) =	ssettag $0x2  }
0x85: {  	s0 =	rddreg [dreg:$0x0];
	s2 =	stileid.u32  }
0x86: {  	s1 =	rddreg [dreg:$0x1];
	p0 =	sne.s32 s2, $0x0  }
0x87: {  	s3 =	rddreg [dreg:$0x2];
	[bflag:$0x3] =	sbarrier.arrive $0xFFFF;
	s2 =	simm.s32 @!p0 $0x1C02  }
0x88: {  	[timem:s3], [sflag:s2] =	dma.local @!p0 [hbm:s0], s1  }
0x89: {  	s0 =	simm.s32 @!p0 $0x2  }
0x8a: {  	_ =	swait.ge @!p0 [sflag:s0], s1  }
0x8b: {  	s1 =	ssub.s32 @!p0 $0x0, s1;
	[sflag:s0] =	ssyncset.done @!p0 $0x0  }
0x8c: {  	[sflag:s0] =	ssyncadd.s32 @!p0 s1  }
0x8d: {  	[bflag:$0x3] =	sbarrier.arrive $0xFFFF  }
0x8e: {  	_ =	shalt  }

</sc_bundles>
